<compile_context>
chip_gen: v7x
topology: tpu7x:2x2x1
jax: 0.10.2.dev20260603
libtpu: 0.0.44.dev20260713+nightly
codegen_flags: <defaults>
</compile_context>

<pallas_src>
import dataclasses
import functools

import jax
import jax.numpy as jnp
from jax import lax
from jax.experimental import pallas as pl
from jax.experimental.pallas import tpu as pltpu
from jax.experimental.pallas import tpu_sc as plsc

B, L, D, MAX_LEN = 4, 2048, 1024, 2048
N = B * L
NUM_WORKERS = 32
ROWS_PER_WORKER = N // NUM_WORKERS
CHUNK = 8
NCHUNK = ROWS_PER_WORKER // CHUNK
RING = 4
LANES = 16
UNROLL = 8
CT = D // 128
NSEG = CHUNK * CT

_CP = pltpu.CompilerParams()
if "needs_layout_passes" in pltpu.CompilerParams.__dataclass_fields__:
    _CP = dataclasses.replace(_CP, needs_layout_passes=False)


@functools.partial(
    pl.kernel,
    out_type=jax.ShapeDtypeStruct((N * D,), jnp.float32),
    mesh=plsc.VectorSubcoreMesh(core_axis_name="c", subcore_axis_name="s"),
    compiler_params=_CP,
    scratch_types=(
        [pltpu.VMEM((ROWS_PER_WORKER,), jnp.int32),
         pltpu.VMEM((ROWS_PER_WORKER,), jnp.float32)]
        + [pltpu.VMEM((CHUNK * D,), jnp.float32)] * RING
        + [pltpu.VMEM((NSEG, 128), jnp.float32)] * RING
        + [pltpu.VMEM((NSEG,), jnp.int32)] * RING
        + [pltpu.SemaphoreType.DMA] * (3 * RING + 1)
    ),
)
def _sc_masked_pe(x_hbm, mask_hbm, pos_hbm, pe_hbm, out_hbm,
                  pos_v, msk_v, *scratch):
    xb_ = scratch[0:RING]
    pb_ = scratch[RING:2 * RING]
    ib_ = scratch[2 * RING:3 * RING]
    sg_ = scratch[3 * RING:4 * RING]
    sx_ = scratch[4 * RING:5 * RING]
    ss_ = scratch[5 * RING:6 * RING]
    st_sem = scratch[6 * RING]
    bufs = tuple(zip(xb_, pb_, ib_, sg_, sx_, ss_))

    wid = lax.axis_index("s") * 2 + lax.axis_index("c")
    base = wid * ROWS_PER_WORKER

    cp_pos = pltpu.async_copy(
        pos_hbm.at[pl.ds(base, ROWS_PER_WORKER)], pos_v, st_sem)
    cp_msk = pltpu.async_copy(
        mask_hbm.at[pl.ds(base, ROWS_PER_WORKER)], msk_v, st_sem)
    cp_pos.wait()
    cp_msk.wait()

    it = lax.iota(jnp.int32, LANES)
    dst0 = ((it >> 3) << 3) + (it & 7)

    def issue(c, buf):
        x_b, pe_b, ix_b, sg, sx, _ = buf
        off = pl.multiple_of(c * CHUNK, CHUNK)
        p = plsc.load_gather(pos_v, [off + (it & 7)])
        seg0 = ((p >> 3) << 6) + (p & 7) + ((it >> 3) << 3)
        for h in range(CT // 2):
            plsc.store_scatter(ix_b, [dst0 + (h << 4)], seg0 + (h << 4))
        pltpu.async_copy(pe_hbm.at[ix_b], pe_b, sg)
        pltpu.async_copy(
            x_hbm.at[pl.ds(pl.multiple_of((base + off) * D, CHUNK * D),
                           CHUNK * D)], x_b, sx)

    for b in range(RING):
        issue(b, bufs[b])

    @pl.loop(0, NCHUNK, step=RING)
    def _ring(i):
        for b in range(RING):
            c = i + b
            x_b, pe_b, ix_b, sg, sx, ss = bufs[b]
            off = pl.multiple_of(c * CHUNK, CHUNK)
            hoff = pl.multiple_of((base + off) * D, CHUNK * D)
            pltpu.make_async_copy(pe_hbm.at[pl.ds(0, NSEG)], pe_b, sg).wait()
            pltpu.make_async_copy(x_hbm.at[pl.ds(0, CHUNK * D)], x_b, sx).wait()

            @plsc.parallel_loop(0, CHUNK)
            def _row(r):
                m = plsc.load_gather(
                    msk_v, [jnp.full((LANES,), off + r, jnp.int32)])
                rbase = (r & 7) << 7
                prow0 = r & 7

                @plsc.parallel_loop(0, CT)
                def _ctile(ct):
                    xtb = rbase + (ct << 10)
                    prow = prow0 + (ct << 3)

                    @plsc.parallel_loop(0, 128, LANES, unroll=UNROLL)
                    def _col(j):
                        xs = pl.ds(xtb + j, LANES)
                        x_b[xs] = x_b[xs] + m * pe_b[prow, pl.ds(j, LANES)]

            pltpu.async_copy(x_b, out_hbm.at[pl.ds(hoff, CHUNK * D)], ss)

            @pl.when(c + RING < NCHUNK)
            def _refill():
                pltpu.make_async_copy(
                    x_b, out_hbm.at[pl.ds(0, CHUNK * D)], ss).wait()
                issue(c + RING, bufs[b])

    for b in range(RING):
        pltpu.make_async_copy(
            bufs[b][0], out_hbm.at[pl.ds(0, CHUNK * D)], bufs[b][5]).wait()


@jax.jit
def kernel(x, source_mask, positions, positional_encoding):
    xb = jnp.transpose(x.reshape(N // 8, 8, CT, 128), (0, 2, 1, 3)).reshape(N * D)
    peb = jnp.transpose(
        positional_encoding.reshape(MAX_LEN // 8, 8, CT, 128),
        (0, 2, 1, 3)).reshape(MAX_LEN * CT, 128)
    mask = source_mask.reshape(N).astype(jnp.float32)
    pos = positions.reshape(N).astype(jnp.int32)
    out = _sc_masked_pe(xb, mask, pos, peb)
    return jnp.transpose(
        out.reshape(N // 8, CT, 8, 128), (0, 2, 1, 3)).reshape(B, L, D)

# --- scband reference (transcript-rebuilt; emitter-appended) ---
"""Pipeline reference for scband-masked-positional-encoding-39135742001979 (READ-ONLY COPY).

The authoritative reference and input builder live on the scoring server;
editing this copy changes nothing except your own understanding.
"""

import jax, jax.numpy as jnp
import numpy as np
import math

B, L, D, MAX_LEN = 4, 2048, 1024, 2048

def _build_pe(max_len, input_dim):
    position = np.arange(0, max_len, dtype=np.float32)[:, None]
    div_term = np.exp(np.arange(0, input_dim, 2, dtype=np.float32) * (-(math.log(10000.0) / input_dim)))
    pe = np.zeros((max_len, input_dim), dtype=np.float32)
    pe[:, 0::2] = np.sin(position * div_term)
    pe[:, 1::2] = np.cos(position * div_term)
    return jnp.asarray(pe)

def setup_inputs(seed: int = 0) -> dict:
    key = jax.random.key(seed)
    k1, k2, k3 = jax.random.split(key, 3)
    x = jax.random.normal(k1, (B, L, D), dtype=jnp.float32)
    source_mask = jax.random.uniform(k2, (B, L), dtype=jnp.float32)
    positions = jax.random.randint(k3, (B, L), 0, MAX_LEN)
    positional_encoding = _build_pe(MAX_LEN, D)
    return {"x": x, "source_mask": source_mask, "positions": positions, "positional_encoding": positional_encoding}

def reference(x, source_mask, positions, positional_encoding):
    # Vectorized form of the per-batch loop: pe[positions] masked, added to x
    gathered = jnp.take(positional_encoding, positions, axis=0)  # [B, L, D]
    pe_masked = gathered * source_mask[..., None]
    return x + pe_masked

if __name__ == "__main__":
    import jax
    _d = setup_inputs()
    print(jax.jit(kernel)(*tuple(_d.values())))

</pallas_src>

<mosaic_0001>
#map = affine_map<(d0, d1) -> (0)>
#map1 = affine_map<(d0, d1) -> (0, 0)>
module attributes {stable_mosaic.version = 14 : i64} {
  func.func @_sc_masked_pe(%arg0: i32, %arg1: i32, %arg2: memref<8388608xf32, #tpu.memory_space<hbm>>, %arg3: memref<8192xf32, #tpu.memory_space<hbm>>, %arg4: memref<8192xi32, #tpu.memory_space<hbm>>, %arg5: memref<16384x128xf32, #tpu.memory_space<hbm>>, %arg6: memref<8388608xf32, #tpu.memory_space<hbm>>, %arg7: memref<256xi32, #tpu.memory_space<vmem>>, %arg8: memref<256xf32, #tpu.memory_space<vmem>>, %arg9: memref<8192xf32, #tpu.memory_space<vmem>>, %arg10: memref<8192xf32, #tpu.memory_space<vmem>>, %arg11: memref<8192xf32, #tpu.memory_space<vmem>>, %arg12: memref<8192xf32, #tpu.memory_space<vmem>>, %arg13: memref<64x128xf32, #tpu.memory_space<vmem>>, %arg14: memref<64x128xf32, #tpu.memory_space<vmem>>, %arg15: memref<64x128xf32, #tpu.memory_space<vmem>>, %arg16: memref<64x128xf32, #tpu.memory_space<vmem>>, %arg17: memref<64xi32, #tpu.memory_space<vmem>>, %arg18: memref<64xi32, #tpu.memory_space<vmem>>, %arg19: memref<64xi32, #tpu.memory_space<vmem>>, %arg20: memref<64xi32, #tpu.memory_space<vmem>>, %arg21: memref<!tpu.dma_semaphore, #tpu.memory_space<semaphore_mem>>, %arg22: memref<!tpu.dma_semaphore, #tpu.memory_space<semaphore_mem>>, %arg23: memref<!tpu.dma_semaphore, #tpu.memory_space<semaphore_mem>>, %arg24: memref<!tpu.dma_semaphore, #tpu.memory_space<semaphore_mem>>, %arg25: memref<!tpu.dma_semaphore, #tpu.memory_space<semaphore_mem>>, %arg26: memref<!tpu.dma_semaphore, #tpu.memory_space<semaphore_mem>>, %arg27: memref<!tpu.dma_semaphore, #tpu.memory_space<semaphore_mem>>, %arg28: memref<!tpu.dma_semaphore, #tpu.memory_space<semaphore_mem>>, %arg29: memref<!tpu.dma_semaphore, #tpu.memory_space<semaphore_mem>>, %arg30: memref<!tpu.dma_semaphore, #tpu.memory_space<semaphore_mem>>, %arg31: memref<!tpu.dma_semaphore, #tpu.memory_space<semaphore_mem>>, %arg32: memref<!tpu.dma_semaphore, #tpu.memory_space<semaphore_mem>>, %arg33: memref<!tpu.dma_semaphore, #tpu.memory_space<semaphore_mem>>) attributes {dimension_semantics = [#tpu.dimension_semantics<core_parallel>, #tpu.dimension_semantics<subcore_parallel>], iteration_bounds = array<i64: 2, 16>, scalar_prefetch = 0 : i64, scratch_operands = 27 : i64, tpu.core_type = #tpu.core_type<sc_vector_subcore>, window_params = [{transform_indices = #map}, {transform_indices = #map}, {transform_indices = #map}, {transform_indices = #map1}, {transform_indices = #map}]} {
    %mul3A = arith.constant 2 : i32
    %mul3A_0 = arith.muli %arg1, %mul3A : i32
    %add3A = arith.addi %mul3A_0, %arg0 : i32
    %mul3A_1 = arith.constant 256 : i32
    %mul3A_2 = arith.muli %add3A, %mul3A_1 : i32
    %dma_start3A = tpu.memref_slice %arg4[%mul3A_2] : memref<8192xi32, #tpu.memory_space<hbm>> -> memref<256xi32, #tpu.memory_space<hbm>>
    %dma_start3A_3 = tpu.memref_slice %arg4[%mul3A_2] : memref<8192xi32, #tpu.memory_space<hbm>> -> memref<256xi32, #tpu.memory_space<hbm>>
    tpu.enqueue_dma source(%dma_start3A_3 : memref<256xi32, #tpu.memory_space<hbm>>) target(%arg7 : memref<256xi32, #tpu.memory_space<vmem>>) target_semaphore(%arg33 : memref<!tpu.dma_semaphore, #tpu.memory_space<semaphore_mem>>)
    %dma_start3A_4 = tpu.memref_slice %arg3[%mul3A_2] : memref<8192xf32, #tpu.memory_space<hbm>> -> memref<256xf32, #tpu.memory_space<hbm>>
    %dma_start3A_5 = tpu.memref_slice %arg3[%mul3A_2] : memref<8192xf32, #tpu.memory_space<hbm>> -> memref<256xf32, #tpu.memory_space<hbm>>
    tpu.enqueue_dma source(%dma_start3A_5 : memref<256xf32, #tpu.memory_space<hbm>>) target(%arg8 : memref<256xf32, #tpu.memory_space<vmem>>) target_semaphore(%arg33 : memref<!tpu.dma_semaphore, #tpu.memory_space<semaphore_mem>>)
    %dma_wait3A = tpu.memref_slice %arg4[%mul3A_2] : memref<8192xi32, #tpu.memory_space<hbm>> -> memref<256xi32, #tpu.memory_space<hbm>>
    %dma_wait3A_6 = tpu.memref_slice %arg4[%mul3A_2] : memref<8192xi32, #tpu.memory_space<hbm>> -> memref<256xi32, #tpu.memory_space<hbm>>
    tpu.wait_dma2 semaphore(%arg33 : memref<!tpu.dma_semaphore, #tpu.memory_space<semaphore_mem>>) src(%dma_wait3A_6 : memref<256xi32, #tpu.memory_space<hbm>>) dst(%arg7 : memref<256xi32, #tpu.memory_space<vmem>>)
    %dma_wait3A_7 = tpu.memref_slice %arg3[%mul3A_2] : memref<8192xf32, #tpu.memory_space<hbm>> -> memref<256xf32, #tpu.memory_space<hbm>>
    %dma_wait3A_8 = tpu.memref_slice %arg3[%mul3A_2] : memref<8192xf32, #tpu.memory_space<hbm>> -> memref<256xf32, #tpu.memory_space<hbm>>
    tpu.wait_dma2 semaphore(%arg33 : memref<!tpu.dma_semaphore, #tpu.memory_space<semaphore_mem>>) src(%dma_wait3A_8 : memref<256xf32, #tpu.memory_space<hbm>>) dst(%arg8 : memref<256xf32, #tpu.memory_space<vmem>>)
    %iota3A = tpu.iota {dimensions = array<i32: 0>} : vector<16xi32>
    %shift_right_arithmetic3A = arith.constant 3 : i32
    %shift_right_arithmetic3A_9 = vector.broadcast %shift_right_arithmetic3A : i32 to vector<16xi32>
    %shift_right_arithmetic3A_10 = arith.shrsi %iota3A, %shift_right_arithmetic3A_9 : vector<16xi32>
    %shift_left3A = arith.constant 3 : i32
    %shift_left3A_11 = vector.broadcast %shift_left3A : i32 to vector<16xi32>
    %shift_left3A_12 = arith.shli %shift_right_arithmetic3A_10, %shift_left3A_11 : vector<16xi32>
    %and3A = arith.constant 7 : i32
    %and3A_13 = vector.broadcast %and3A : i32 to vector<16xi32>
    %and3A_14 = arith.andi %iota3A, %and3A_13 : vector<16xi32>
    %add3A_15 = arith.addi %shift_left3A_12, %and3A_14 : vector<16xi32>
    %multiple_of3A = arith.constant 0 : i32
    %multiple_of3A_16 = tpu.assume_multiple %multiple_of3A, 8 : i32
    %and3A_17 = arith.constant 7 : i32
    %and3A_18 = vector.broadcast %and3A_17 : i32 to vector<16xi32>
    %and3A_19 = arith.andi %iota3A, %and3A_18 : vector<16xi32>
    %add3A_20 = vector.broadcast %multiple_of3A_16 : i32 to vector<16xi32>
    %add3A_21 = arith.addi %add3A_20, %and3A_19 : vector<16xi32>
    %gather3A = tpu.vector_load_idx %arg7[%add3A_21] : memref<256xi32, #tpu.memory_space<vmem>>[vector<16xi32>], vector<16xi32>,
    %shift_right_arithmetic3A_22 = arith.constant 3 : i32
    %shift_right_arithmetic3A_23 = vector.broadcast %shift_right_arithmetic3A_22 : i32 to vector<16xi32>
    %shift_right_arithmetic3A_24 = arith.shrsi %gather3A, %shift_right_arithmetic3A_23 : vector<16xi32>
    %shift_left3A_25 = arith.constant 6 : i32
    %shift_left3A_26 = vector.broadcast %shift_left3A_25 : i32 to vector<16xi32>
    %shift_left3A_27 = arith.shli %shift_right_arithmetic3A_24, %shift_left3A_26 : vector<16xi32>
    %and3A_28 = arith.constant 7 : i32
    %and3A_29 = vector.broadcast %and3A_28 : i32 to vector<16xi32>
    %and3A_30 = arith.andi %gather3A, %and3A_29 : vector<16xi32>
    %add3A_31 = arith.addi %shift_left3A_27, %and3A_30 : vector<16xi32>
    %shift_right_arithmetic3A_32 = arith.constant 3 : i32
    %shift_right_arithmetic3A_33 = vector.broadcast %shift_right_arithmetic3A_32 : i32 to vector<16xi32>
    %shift_right_arithmetic3A_34 = arith.shrsi %iota3A, %shift_right_arithmetic3A_33 : vector<16xi32>
    %shift_left3A_35 = arith.constant 3 : i32
    %shift_left3A_36 = vector.broadcast %shift_left3A_35 : i32 to vector<16xi32>
    %shift_left3A_37 = arith.shli %shift_right_arithmetic3A_34, %shift_left3A_36 : vector<16xi32>
    %add3A_38 = arith.addi %add3A_31, %shift_left3A_37 : vector<16xi32>
    %add3A_39 = arith.constant 0 : i32
    %add3A_40 = vector.broadcast %add3A_39 : i32 to vector<16xi32>
    %add3A_41 = arith.addi %add3A_15, %add3A_40 : vector<16xi32>
    %add3A_42 = arith.constant 0 : i32
    %add3A_43 = vector.broadcast %add3A_42 : i32 to vector<16xi32>
    %add3A_44 = arith.addi %add3A_38, %add3A_43 : vector<16xi32>
    tpu.vector_store_idx %arg17[%add3A_41], %add3A_44 : memref<64xi32, #tpu.memory_space<vmem>>[vector<16xi32>], vector<16xi32>,
    %add3A_45 = arith.constant 16 : i32
    %add3A_46 = vector.broadcast %add3A_45 : i32 to vector<16xi32>
    %add3A_47 = arith.addi %add3A_15, %add3A_46 : vector<16xi32>
    %add3A_48 = arith.constant 16 : i32
    %add3A_49 = vector.broadcast %add3A_48 : i32 to vector<16xi32>
    %add3A_50 = arith.addi %add3A_38, %add3A_49 : vector<16xi32>
    tpu.vector_store_idx %arg17[%add3A_47], %add3A_50 : memref<64xi32, #tpu.memory_space<vmem>>[vector<16xi32>], vector<16xi32>,
    %add3A_51 = arith.constant 32 : i32
    %add3A_52 = vector.broadcast %add3A_51 : i32 to vector<16xi32>
    %add3A_53 = arith.addi %add3A_15, %add3A_52 : vector<16xi32>
    %add3A_54 = arith.constant 32 : i32
    %add3A_55 = vector.broadcast %add3A_54 : i32 to vector<16xi32>
    %add3A_56 = arith.addi %add3A_38, %add3A_55 : vector<16xi32>
    tpu.vector_store_idx %arg17[%add3A_53], %add3A_56 : memref<64xi32, #tpu.memory_space<vmem>>[vector<16xi32>], vector<16xi32>,
    %add3A_57 = arith.constant 48 : i32
    %add3A_58 = vector.broadcast %add3A_57 : i32 to vector<16xi32>
    %add3A_59 = arith.addi %add3A_15, %add3A_58 : vector<16xi32>
    %add3A_60 = arith.constant 48 : i32
    %add3A_61 = vector.broadcast %add3A_60 : i32 to vector<16xi32>
    %add3A_62 = arith.addi %add3A_38, %add3A_61 : vector<16xi32>
    tpu.vector_store_idx %arg17[%add3A_59], %add3A_62 : memref<64xi32, #tpu.memory_space<vmem>>[vector<16xi32>], vector<16xi32>,
    %dma_start3A_63 = arith.constant 0 : i32
    %dma_start3A_64 = arith.constant 0 : i32
    %dma_start3A_65 = tpu.memref_slice %arg5[%dma_start3A_63, %dma_start3A_64] : memref<16384x128xf32, #tpu.memory_space<hbm>> -> memref<16384x128xf32, #tpu.memory_space<hbm>>
    tpu.enqueue_indirect_dma source(%dma_start3A_65 : memref<16384x128xf32, #tpu.memory_space<hbm>>) target(%arg13 : memref<64x128xf32, #tpu.memory_space<vmem>>) offsets(%arg17 : memref<64xi32, #tpu.memory_space<vmem>>) semaphore(%arg21 : memref<!tpu.dma_semaphore, #tpu.memory_space<semaphore_mem>>)
    %add3A_66 = arith.addi %mul3A_2, %multiple_of3A_16 : i32
    %mul3A_67 = arith.constant 1024 : i32
    %mul3A_68 = arith.muli %add3A_66, %mul3A_67 : i32
    %multiple_of3A_69 = tpu.assume_multiple %mul3A_68, 8192 : i32
    %dma_start3A_70 = tpu.memref_slice %arg2[%multiple_of3A_69] : memref<8388608xf32, #tpu.memory_space<hbm>> -> memref<8192xf32, #tpu.memory_space<hbm>>
    %dma_start3A_71 = tpu.memref_slice %arg2[%multiple_of3A_69] : memref<8388608xf32, #tpu.memory_space<hbm>> -> memref<8192xf32, #tpu.memory_space<hbm>>
    tpu.enqueue_dma source(%dma_start3A_71 : memref<8192xf32, #tpu.memory_space<hbm>>) target(%arg9 : memref<8192xf32, #tpu.memory_space<vmem>>) target_semaphore(%arg25 : memref<!tpu.dma_semaphore, #tpu.memory_space<semaphore_mem>>)
    %multiple_of3A_72 = arith.constant 8 : i32
    %multiple_of3A_73 = tpu.assume_multiple %multiple_of3A_72, 8 : i32
    %and3A_74 = arith.constant 7 : i32
    %and3A_75 = vector.broadcast %and3A_74 : i32 to vector<16xi32>
    %and3A_76 = arith.andi %iota3A, %and3A_75 : vector<16xi32>
    %add3A_77 = vector.broadcast %multiple_of3A_73 : i32 to vector<16xi32>
    %add3A_78 = arith.addi %add3A_77, %and3A_76 : vector<16xi32>
    %gather3A_79 = tpu.vector_load_idx %arg7[%add3A_78] : memref<256xi32, #tpu.memory_space<vmem>>[vector<16xi32>], vector<16xi32>,
    %shift_right_arithmetic3A_80 = arith.constant 3 : i32
    %shift_right_arithmetic3A_81 = vector.broadcast %shift_right_arithmetic3A_80 : i32 to vector<16xi32>
    %shift_right_arithmetic3A_82 = arith.shrsi %gather3A_79, %shift_right_arithmetic3A_81 : vector<16xi32>
    %shift_left3A_83 = arith.constant 6 : i32
    %shift_left3A_84 = vector.broadcast %shift_left3A_83 : i32 to vector<16xi32>
    %shift_left3A_85 = arith.shli %shift_right_arithmetic3A_82, %shift_left3A_84 : vector<16xi32>
    %and3A_86 = arith.constant 7 : i32
    %and3A_87 = vector.broadcast %and3A_86 : i32 to vector<16xi32>
    %and3A_88 = arith.andi %gather3A_79, %and3A_87 : vector<16xi32>
    %add3A_89 = arith.addi %shift_left3A_85, %and3A_88 : vector<16xi32>
    %shift_right_arithmetic3A_90 = arith.constant 3 : i32
    %shift_right_arithmetic3A_91 = vector.broadcast %shift_right_arithmetic3A_90 : i32 to vector<16xi32>
    %shift_right_arithmetic3A_92 = arith.shrsi %iota3A, %shift_right_arithmetic3A_91 : vector<16xi32>
    %shift_left3A_93 = arith.constant 3 : i32
    %shift_left3A_94 = vector.broadcast %shift_left3A_93 : i32 to vector<16xi32>
    %shift_left3A_95 = arith.shli %shift_right_arithmetic3A_92, %shift_left3A_94 : vector<16xi32>
    %add3A_96 = arith.addi %add3A_89, %shift_left3A_95 : vector<16xi32>
    %add3A_97 = arith.constant 0 : i32
    %add3A_98 = vector.broadcast %add3A_97 : i32 to vector<16xi32>
    %add3A_99 = arith.addi %add3A_15, %add3A_98 : vector<16xi32>
    %add3A_100 = arith.constant 0 : i32
    %add3A_101 = vector.broadcast %add3A_100 : i32 to vector<16xi32>
    %add3A_102 = arith.addi %add3A_96, %add3A_101 : vector<16xi32>
    tpu.vector_store_idx %arg18[%add3A_99], %add3A_102 : memref<64xi32, #tpu.memory_space<vmem>>[vector<16xi32>], vector<16xi32>,
    %add3A_103 = arith.constant 16 : i32
    %add3A_104 = vector.broadcast %add3A_103 : i32 to vector<16xi32>
    %add3A_105 = arith.addi %add3A_15, %add3A_104 : vector<16xi32>
    %add3A_106 = arith.constant 16 : i32
    %add3A_107 = vector.broadcast %add3A_106 : i32 to vector<16xi32>
    %add3A_108 = arith.addi %add3A_96, %add3A_107 : vector<16xi32>
    tpu.vector_store_idx %arg18[%add3A_105], %add3A_108 : memref<64xi32, #tpu.memory_space<vmem>>[vector<16xi32>], vector<16xi32>,
    %add3A_109 = arith.constant 32 : i32
    %add3A_110 = vector.broadcast %add3A_109 : i32 to vector<16xi32>
    %add3A_111 = arith.addi %add3A_15, %add3A_110 : vector<16xi32>
    %add3A_112 = arith.constant 32 : i32
    %add3A_113 = vector.broadcast %add3A_112 : i32 to vector<16xi32>
    %add3A_114 = arith.addi %add3A_96, %add3A_113 : vector<16xi32>
    tpu.vector_store_idx %arg18[%add3A_111], %add3A_114 : memref<64xi32, #tpu.memory_space<vmem>>[vector<16xi32>], vector<16xi32>,
    %add3A_115 = arith.constant 48 : i32
    %add3A_116 = vector.broadcast %add3A_115 : i32 to vector<16xi32>
    %add3A_117 = arith.addi %add3A_15, %add3A_116 : vector<16xi32>
    %add3A_118 = arith.constant 48 : i32
    %add3A_119 = vector.broadcast %add3A_118 : i32 to vector<16xi32>
    %add3A_120 = arith.addi %add3A_96, %add3A_119 : vector<16xi32>
    tpu.vector_store_idx %arg18[%add3A_117], %add3A_120 : memref<64xi32, #tpu.memory_space<vmem>>[vector<16xi32>], vector<16xi32>,
    %dma_start3A_121 = arith.constant 0 : i32
    %dma_start3A_122 = arith.constant 0 : i32
    %dma_start3A_123 = tpu.memref_slice %arg5[%dma_start3A_121, %dma_start3A_122] : memref<16384x128xf32, #tpu.memory_space<hbm>> -> memref<16384x128xf32, #tpu.memory_space<hbm>>
    tpu.enqueue_indirect_dma source(%dma_start3A_123 : memref<16384x128xf32, #tpu.memory_space<hbm>>) target(%arg14 : memref<64x128xf32, #tpu.memory_space<vmem>>) offsets(%arg18 : memref<64xi32, #tpu.memory_space<vmem>>) semaphore(%arg22 : memref<!tpu.dma_semaphore, #tpu.memory_space<semaphore_mem>>)
    %add3A_124 = arith.addi %mul3A_2, %multiple_of3A_73 : i32
    %mul3A_125 = arith.constant 1024 : i32
    %mul3A_126 = arith.muli %add3A_124, %mul3A_125 : i32
    %multiple_of3A_127 = tpu.assume_multiple %mul3A_126, 8192 : i32
    %dma_start3A_128 = tpu.memref_slice %arg2[%multiple_of3A_127] : memref<8388608xf32, #tpu.memory_space<hbm>> -> memref<8192xf32, #tpu.memory_space<hbm>>
    %dma_start3A_129 = tpu.memref_slice %arg2[%multiple_of3A_127] : memref<8388608xf32, #tpu.memory_space<hbm>> -> memref<8192xf32, #tpu.memory_space<hbm>>
    tpu.enqueue_dma source(%dma_start3A_129 : memref<8192xf32, #tpu.memory_space<hbm>>) target(%arg10 : memref<8192xf32, #tpu.memory_space<vmem>>) target_semaphore(%arg26 : memref<!tpu.dma_semaphore, #tpu.memory_space<semaphore_mem>>)
    %multiple_of3A_130 = arith.constant 16 : i32
    %multiple_of3A_131 = tpu.assume_multiple %multiple_of3A_130, 8 : i32
    %and3A_132 = arith.constant 7 : i32
    %and3A_133 = vector.broadcast %and3A_132 : i32 to vector<16xi32>
    %and3A_134 = arith.andi %iota3A, %and3A_133 : vector<16xi32>
    %add3A_135 = vector.broadcast %multiple_of3A_131 : i32 to vector<16xi32>
    %add3A_136 = arith.addi %add3A_135, %and3A_134 : vector<16xi32>
    %gather3A_137 = tpu.vector_load_idx %arg7[%add3A_136] : memref<256xi32, #tpu.memory_space<vmem>>[vector<16xi32>], vector<16xi32>,
    %shift_right_arithmetic3A_138 = arith.constant 3 : i32
    %shift_right_arithmetic3A_139 = vector.broadcast %shift_right_arithmetic3A_138 : i32 to vector<16xi32>
    %shift_right_arithmetic3A_140 = arith.shrsi %gather3A_137, %shift_right_arithmetic3A_139 : vector<16xi32>
    %shift_left3A_141 = arith.constant 6 : i32
    %shift_left3A_142 = vector.broadcast %shift_left3A_141 : i32 to vector<16xi32>
    %shift_left3A_143 = arith.shli %shift_right_arithmetic3A_140, %shift_left3A_142 : vector<16xi32>
    %and3A_144 = arith.constant 7 : i32
    %and3A_145 = vector.broadcast %and3A_144 : i32 to vector<16xi32>
    %and3A_146 = arith.andi %gather3A_137, %and3A_145 : vector<16xi32>
    %add3A_147 = arith.addi %shift_left3A_143, %and3A_146 : vector<16xi32>
    %shift_right_arithmetic3A_148 = arith.constant 3 : i32
    %shift_right_arithmetic3A_149 = vector.broadcast %shift_right_arithmetic3A_148 : i32 to vector<16xi32>
    %shift_right_arithmetic3A_150 = arith.shrsi %iota3A, %shift_right_arithmetic3A_149 : vector<16xi32>
    %shift_left3A_151 = arith.constant 3 : i32
    %shift_left3A_152 = vector.broadcast %shift_left3A_151 : i32 to vector<16xi32>
    %shift_left3A_153 = arith.shli %shift_right_arithmetic3A_150, %shift_left3A_152 : vector<16xi32>
    %add3A_154 = arith.addi %add3A_147, %shift_left3A_153 : vector<16xi32>
    %add3A_155 = arith.constant 0 : i32
    %add3A_156 = vector.broadcast %add3A_155 : i32 to vector<16xi32>
    %add3A_157 = arith.addi %add3A_15, %add3A_156 : vector<16xi32>
    %add3A_158 = arith.constant 0 : i32
    %add3A_159 = vector.broadcast %add3A_158 : i32 to vector<16xi32>
    %add3A_160 = arith.addi %add3A_154, %add3A_159 : vector<16xi32>
    tpu.vector_store_idx %arg19[%add3A_157], %add3A_160 : memref<64xi32, #tpu.memory_space<vmem>>[vector<16xi32>], vector<16xi32>,
    %add3A_161 = arith.constant 16 : i32
    %add3A_162 = vector.broadcast %add3A_161 : i32 to vector<16xi32>
    %add3A_163 = arith.addi %add3A_15, %add3A_162 : vector<16xi32>
    %add3A_164 = arith.constant 16 : i32
    %add3A_165 = vector.broadcast %add3A_164 : i32 to vector<16xi32>
    %add3A_166 = arith.addi %add3A_154, %add3A_165 : vector<16xi32>
    tpu.vector_store_idx %arg19[%add3A_163], %add3A_166 : memref<64xi32, #tpu.memory_space<vmem>>[vector<16xi32>], vector<16xi32>,
    %add3A_167 = arith.constant 32 : i32
    %add3A_168 = vector.broadcast %add3A_167 : i32 to vector<16xi32>
    %add3A_169 = arith.addi %add3A_15, %add3A_168 : vector<16xi32>
    %add3A_170 = arith.constant 32 : i32
    %add3A_171 = vector.broadcast %add3A_170 : i32 to vector<16xi32>
    %add3A_172 = arith.addi %add3A_154, %add3A_171 : vector<16xi32>
    tpu.vector_store_idx %arg19[%add3A_169], %add3A_172 : memref<64xi32, #tpu.memory_space<vmem>>[vector<16xi32>], vector<16xi32>,
    %add3A_173 = arith.constant 48 : i32
    %add3A_174 = vector.broadcast %add3A_173 : i32 to vector<16xi32>
    %add3A_175 = arith.addi %add3A_15, %add3A_174 : vector<16xi32>
    %add3A_176 = arith.constant 48 : i32
    %add3A_177 = vector.broadcast %add3A_176 : i32 to vector<16xi32>
    %add3A_178 = arith.addi %add3A_154, %add3A_177 : vector<16xi32>
    tpu.vector_store_idx %arg19[%add3A_175], %add3A_178 : memref<64xi32, #tpu.memory_space<vmem>>[vector<16xi32>], vector<16xi32>,
    %dma_start3A_179 = arith.constant 0 : i32
    %dma_start3A_180 = arith.constant 0 : i32
    %dma_start3A_181 = tpu.memref_slice %arg5[%dma_start3A_179, %dma_start3A_180] : memref<16384x128xf32, #tpu.memory_space<hbm>> -> memref<16384x128xf32, #tpu.memory_space<hbm>>
    tpu.enqueue_indirect_dma source(%dma_start3A_181 : memref<16384x128xf32, #tpu.memory_space<hbm>>) target(%arg15 : memref<64x128xf32, #tpu.memory_space<vmem>>) offsets(%arg19 : memref<64xi32, #tpu.memory_space<vmem>>) semaphore(%arg23 : memref<!tpu.dma_semaphore, #tpu.memory_space<semaphore_mem>>)
    %add3A_182 = arith.addi %mul3A_2, %multiple_of3A_131 : i32
    %mul3A_183 = arith.constant 1024 : i32
    %mul3A_184 = arith.muli %add3A_182, %mul3A_183 : i32
    %multiple_of3A_185 = tpu.assume_multiple %mul3A_184, 8192 : i32
    %dma_start3A_186 = tpu.memref_slice %arg2[%multiple_of3A_185] : memref<8388608xf32, #tpu.memory_space<hbm>> -> memref<8192xf32, #tpu.memory_space<hbm>>
    %dma_start3A_187 = tpu.memref_slice %arg2[%multiple_of3A_185] : memref<8388608xf32, #tpu.memory_space<hbm>> -> memref<8192xf32, #tpu.memory_space<hbm>>
    tpu.enqueue_dma source(%dma_start3A_187 : memref<8192xf32, #tpu.memory_space<hbm>>) target(%arg11 : memref<8192xf32, #tpu.memory_space<vmem>>) target_semaphore(%arg27 : memref<!tpu.dma_semaphore, #tpu.memory_space<semaphore_mem>>)
    %multiple_of3A_188 = arith.constant 24 : i32
    %multiple_of3A_189 = tpu.assume_multiple %multiple_of3A_188, 8 : i32
    %and3A_190 = arith.constant 7 : i32
    %and3A_191 = vector.broadcast %and3A_190 : i32 to vector<16xi32>
    %and3A_192 = arith.andi %iota3A, %and3A_191 : vector<16xi32>
    %add3A_193 = vector.broadcast %multiple_of3A_189 : i32 to vector<16xi32>
    %add3A_194 = arith.addi %add3A_193, %and3A_192 : vector<16xi32>
    %gather3A_195 = tpu.vector_load_idx %arg7[%add3A_194] : memref<256xi32, #tpu.memory_space<vmem>>[vector<16xi32>], vector<16xi32>,
    %shift_right_arithmetic3A_196 = arith.constant 3 : i32
    %shift_right_arithmetic3A_197 = vector.broadcast %shift_right_arithmetic3A_196 : i32 to vector<16xi32>
    %shift_right_arithmetic3A_198 = arith.shrsi %gather3A_195, %shift_right_arithmetic3A_197 : vector<16xi32>
    %shift_left3A_199 = arith.constant 6 : i32
    %shift_left3A_200 = vector.broadcast %shift_left3A_199 : i32 to vector<16xi32>
    %shift_left3A_201 = arith.shli %shift_right_arithmetic3A_198, %shift_left3A_200 : vector<16xi32>
    %and3A_202 = arith.constant 7 : i32
    %and3A_203 = vector.broadcast %and3A_202 : i32 to vector<16xi32>
    %and3A_204 = arith.andi %gather3A_195, %and3A_203 : vector<16xi32>
    %add3A_205 = arith.addi %shift_left3A_201, %and3A_204 : vector<16xi32>
    %shift_right_arithmetic3A_206 = arith.constant 3 : i32
    %shift_right_arithmetic3A_207 = vector.broadcast %shift_right_arithmetic3A_206 : i32 to vector<16xi32>
    %shift_right_arithmetic3A_208 = arith.shrsi %iota3A, %shift_right_arithmetic3A_207 : vector<16xi32>
    %shift_left3A_209 = arith.constant 3 : i32
    %shift_left3A_210 = vector.broadcast %shift_left3A_209 : i32 to vector<16xi32>
    %shift_left3A_211 = arith.shli %shift_right_arithmetic3A_208, %shift_left3A_210 : vector<16xi32>
    %add3A_212 = arith.addi %add3A_205, %shift_left3A_211 : vector<16xi32>
    %add3A_213 = arith.constant 0 : i32
    %add3A_214 = vector.broadcast %add3A_213 : i32 to vector<16xi32>
    %add3A_215 = arith.addi %add3A_15, %add3A_214 : vector<16xi32>
    %add3A_216 = arith.constant 0 : i32
    %add3A_217 = vector.broadcast %add3A_216 : i32 to vector<16xi32>
    %add3A_218 = arith.addi %add3A_212, %add3A_217 : vector<16xi32>
    tpu.vector_store_idx %arg20[%add3A_215], %add3A_218 : memref<64xi32, #tpu.memory_space<vmem>>[vector<16xi32>], vector<16xi32>,
    %add3A_219 = arith.constant 16 : i32
    %add3A_220 = vector.broadcast %add3A_219 : i32 to vector<16xi32>
    %add3A_221 = arith.addi %add3A_15, %add3A_220 : vector<16xi32>
    %add3A_222 = arith.constant 16 : i32
    %add3A_223 = vector.broadcast %add3A_222 : i32 to vector<16xi32>
    %add3A_224 = arith.addi %add3A_212, %add3A_223 : vector<16xi32>
    tpu.vector_store_idx %arg20[%add3A_221], %add3A_224 : memref<64xi32, #tpu.memory_space<vmem>>[vector<16xi32>], vector<16xi32>,
    %add3A_225 = arith.constant 32 : i32
    %add3A_226 = vector.broadcast %add3A_225 : i32 to vector<16xi32>
    %add3A_227 = arith.addi %add3A_15, %add3A_226 : vector<16xi32>
    %add3A_228 = arith.constant 32 : i32
    %add3A_229 = vector.broadcast %add3A_228 : i32 to vector<16xi32>
    %add3A_230 = arith.addi %add3A_212, %add3A_229 : vector<16xi32>
    tpu.vector_store_idx %arg20[%add3A_227], %add3A_230 : memref<64xi32, #tpu.memory_space<vmem>>[vector<16xi32>], vector<16xi32>,
    %add3A_231 = arith.constant 48 : i32
    %add3A_232 = vector.broadcast %add3A_231 : i32 to vector<16xi32>
    %add3A_233 = arith.addi %add3A_15, %add3A_232 : vector<16xi32>
    %add3A_234 = arith.constant 48 : i32
    %add3A_235 = vector.broadcast %add3A_234 : i32 to vector<16xi32>
    %add3A_236 = arith.addi %add3A_212, %add3A_235 : vector<16xi32>
    tpu.vector_store_idx %arg20[%add3A_233], %add3A_236 : memref<64xi32, #tpu.memory_space<vmem>>[vector<16xi32>], vector<16xi32>,
    %dma_start3A_237 = arith.constant 0 : i32
    %dma_start3A_238 = arith.constant 0 : i32
    %dma_start3A_239 = tpu.memref_slice %arg5[%dma_start3A_237, %dma_start3A_238] : memref<16384x128xf32, #tpu.memory_space<hbm>> -> memref<16384x128xf32, #tpu.memory_space<hbm>>
    tpu.enqueue_indirect_dma source(%dma_start3A_239 : memref<16384x128xf32, #tpu.memory_space<hbm>>) target(%arg16 : memref<64x128xf32, #tpu.memory_space<vmem>>) offsets(%arg20 : memref<64xi32, #tpu.memory_space<vmem>>) semaphore(%arg24 : memref<!tpu.dma_semaphore, #tpu.memory_space<semaphore_mem>>)
    %add3A_240 = arith.addi %mul3A_2, %multiple_of3A_189 : i32
    %mul3A_241 = arith.constant 1024 : i32
    %mul3A_242 = arith.muli %add3A_240, %mul3A_241 : i32
    %multiple_of3A_243 = tpu.assume_multiple %mul3A_242, 8192 : i32
    %dma_start3A_244 = tpu.memref_slice %arg2[%multiple_of3A_243] : memref<8388608xf32, #tpu.memory_space<hbm>> -> memref<8192xf32, #tpu.memory_space<hbm>>
    %dma_start3A_245 = tpu.memref_slice %arg2[%multiple_of3A_243] : memref<8388608xf32, #tpu.memory_space<hbm>> -> memref<8192xf32, #tpu.memory_space<hbm>>
    tpu.enqueue_dma source(%dma_start3A_245 : memref<8192xf32, #tpu.memory_space<hbm>>) target(%arg12 : memref<8192xf32, #tpu.memory_space<vmem>>) target_semaphore(%arg28 : memref<!tpu.dma_semaphore, #tpu.memory_space<semaphore_mem>>)
    %scan3A = arith.constant 0 : i32
    %scan3A_246 = arith.constant 8 : i32
    %scan3A_247 = arith.addi %scan3A, %scan3A_246 : i32
    %scan3A_248 = arith.constant 1 : i32
    scf.for %scan3A_266 = %scan3A to %scan3A_247 step %scan3A_248  : i32 {
      %mul3A_267 = arith.constant 4 : i32
      %mul3A_268 = arith.muli %scan3A_266, %mul3A_267 : i32
      %add3A_269 = arith.constant 0 : i32
      %add3A_270 = arith.addi %add3A_269, %mul3A_268 : i32
      %add3A_271 = arith.constant 0 : i32
      %add3A_272 = arith.addi %add3A_270, %add3A_271 : i32
      %mul3A_273 = arith.constant 8 : i32
      %mul3A_274 = arith.muli %add3A_272, %mul3A_273 : i32
      %multiple_of3A_275 = tpu.assume_multiple %mul3A_274, 8 : i32
      %add3A_276 = arith.addi %mul3A_2, %multiple_of3A_275 : i32
      %mul3A_277 = arith.constant 1024 : i32
      %mul3A_278 = arith.muli %add3A_276, %mul3A_277 : i32
      %multiple_of3A_279 = tpu.assume_multiple %mul3A_278, 8192 : i32
      %dma_wait3A_280 = arith.constant 0 : i32
      %dma_wait3A_281 = arith.constant 0 : i32
      %dma_wait3A_282 = tpu.memref_slice %arg5[%dma_wait3A_280, %dma_wait3A_281] : memref<16384x128xf32, #tpu.memory_space<hbm>> -> memref<64x128xf32, #tpu.memory_space<hbm>>
      %dma_wait3A_283 = arith.constant 0 : i32
      %dma_wait3A_284 = arith.constant 0 : i32
      %dma_wait3A_285 = tpu.memref_slice %arg5[%dma_wait3A_283, %dma_wait3A_284] : memref<16384x128xf32, #tpu.memory_space<hbm>> -> memref<64x128xf32, #tpu.memory_space<hbm>>
      tpu.wait_dma2 semaphore(%arg21 : memref<!tpu.dma_semaphore, #tpu.memory_space<semaphore_mem>>) src(%dma_wait3A_285 : memref<64x128xf32, #tpu.memory_space<hbm>>) dst(%arg13 : memref<64x128xf32, #tpu.memory_space<vmem>>)
      %dma_wait3A_286 = arith.constant 0 : i32
      %dma_wait3A_287 = tpu.memref_slice %arg2[%dma_wait3A_286] : memref<8388608xf32, #tpu.memory_space<hbm>> -> memref<8192xf32, #tpu.memory_space<hbm>>
      %dma_wait3A_288 = arith.constant 0 : i32
      %dma_wait3A_289 = tpu.memref_slice %arg2[%dma_wait3A_288] : memref<8388608xf32, #tpu.memory_space<hbm>> -> memref<8192xf32, #tpu.memory_space<hbm>>
      tpu.wait_dma2 semaphore(%arg25 : memref<!tpu.dma_semaphore, #tpu.memory_space<semaphore_mem>>) src(%dma_wait3A_289 : memref<8192xf32, #tpu.memory_space<hbm>>) dst(%arg9 : memref<8192xf32, #tpu.memory_space<vmem>>)
      %parallel_loop3A = arith.constant 0 : i32
      %parallel_loop3A_290 = arith.constant 8 : i32
      %parallel_loop3A_291 = arith.constant 1 : i32
      scf.for %parallel_loop3A_391 = %parallel_loop3A to %parallel_loop3A_290 step %parallel_loop3A_291  : i32 {
        %parallel_loop3A_392 = arith.addi %multiple_of3A_275, %parallel_loop3A_391 : i32
        %parallel_loop3A_393 = vector.broadcast %parallel_loop3A_392 : i32 to vector<16xi32>
        %parallel_loop3A_394 = tpu.vector_load_idx %arg8[%parallel_loop3A_393] : memref<256xf32, #tpu.memory_space<vmem>>[vector<16xi32>], vector<16xf32>,
        %parallel_loop3A_395 = arith.constant 7 : i32
        %parallel_loop3A_396 = arith.andi %parallel_loop3A_391, %parallel_loop3A_395 : i32
        %parallel_loop3A_397 = arith.constant 7 : i32
        %parallel_loop3A_398 = arith.shli %parallel_loop3A_396, %parallel_loop3A_397 : i32
        %parallel_loop3A_399 = arith.constant 7 : i32
        %parallel_loop3A_400 = arith.andi %parallel_loop3A_391, %parallel_loop3A_399 : i32
        %parallel_loop3A_401 = arith.constant 0 : i32
        %parallel_loop3A_402 = arith.constant 8 : i32
        %parallel_loop3A_403 = arith.constant 1 : i32
        scf.for %parallel_loop3A_404 = %parallel_loop3A_401 to %parallel_loop3A_402 step %parallel_loop3A_403  : i32 {
          %parallel_loop3A_405 = arith.constant 10 : i32
          %parallel_loop3A_406 = arith.shli %parallel_loop3A_404, %parallel_loop3A_405 : i32
          %parallel_loop3A_407 = arith.addi %parallel_loop3A_398, %parallel_loop3A_406 : i32
          %parallel_loop3A_408 = arith.constant 3 : i32
          %parallel_loop3A_409 = arith.shli %parallel_loop3A_404, %parallel_loop3A_408 : i32
          %parallel_loop3A_410 = arith.addi %parallel_loop3A_400, %parallel_loop3A_409 : i32
          %parallel_loop3A_411 = arith.constant 0 : i32
          %parallel_loop3A_412 = arith.constant 128 : i32
          %parallel_loop3A_413 = arith.constant 16 : i32
          scf.for %parallel_loop3A_414 = %parallel_loop3A_411 to %parallel_loop3A_412 step %parallel_loop3A_413  : i32 {
            %parallel_loop3A_415 = arith.addi %parallel_loop3A_407, %parallel_loop3A_414 : i32
            %parallel_loop3A_416 = arith.index_cast %parallel_loop3A_415 : i32 to index
            %parallel_loop3A_417 = tpu.vector_load %arg9[%parallel_loop3A_416] {strides = array<i32>} : memref<8192xf32, #tpu.memory_space<vmem>>, vector<16xf32>,
            %parallel_loop3A_418 = arith.index_cast %parallel_loop3A_410 : i32 to index
            %parallel_loop3A_419 = arith.index_cast %parallel_loop3A_414 : i32 to index
            %parallel_loop3A_420 = tpu.vector_load %arg13[%parallel_loop3A_418, %parallel_loop3A_419] {strides = array<i32>} : memref<64x128xf32, #tpu.memory_space<vmem>>, vector<16xf32>,
            %parallel_loop3A_421 = arith.mulf %parallel_loop3A_394, %parallel_loop3A_420 : vector<16xf32>
            %parallel_loop3A_422 = arith.addf %parallel_loop3A_417, %parallel_loop3A_421 : vector<16xf32>
            %parallel_loop3A_423 = arith.index_cast %parallel_loop3A_415 : i32 to index
            %parallel_loop3A_424 = tpu.vector_load %arg9[%parallel_loop3A_423] {strides = array<i32>} : memref<8192xf32, #tpu.memory_space<vmem>>, vector<16xf32>,
            tpu.vector_store %arg9[%parallel_loop3A_423], %parallel_loop3A_422 {strides = array<i32>} : memref<8192xf32, #tpu.memory_space<vmem>>, vector<16xf32>,
          } {sc.loop_unroll_factor = 8 : i64, sc.parallel_access}
        } {sc.loop_unroll_factor = 1 : i64, sc.parallel_access}
      } {sc.loop_unroll_factor = 1 : i64, sc.parallel_access}
      %dma_start3A_292 = tpu.memref_slice %arg6[%multiple_of3A_279] : memref<8388608xf32, #tpu.memory_space<hbm>> -> memref<8192xf32, #tpu.memory_space<hbm>>
      %dma_start3A_293 = tpu.memref_slice %arg6[%multiple_of3A_279] : memref<8388608xf32, #tpu.memory_space<hbm>> -> memref<8192xf32, #tpu.memory_space<hbm>>
      tpu.enqueue_dma source(%arg9 : memref<8192xf32, #tpu.memory_space<vmem>>) target(%dma_start3A_293 : memref<8192xf32, #tpu.memory_space<hbm>>) target_semaphore(%arg29 : memref<!tpu.dma_semaphore, #tpu.memory_space<semaphore_mem>>)
      %add3A_294 = arith.constant 4 : i32
      %add3A_295 = arith.addi %add3A_272, %add3A_294 : i32
      %lt3A = arith.constant 32 : i32
      %lt3A_296 = arith.cmpi slt, %add3A_295, %lt3A : i32
      %convert_element_type3A = arith.extui %lt3A_296 : i1 to i32
      %cond3A = arith.constant 0 : i32
      %cond3A_297 = arith.cmpi ne, %convert_element_type3A, %cond3A : i32
      scf.if %cond3A_297 {
        %dma_wait3A_391 = arith.constant 0 : i32
        %dma_wait3A_392 = tpu.memref_slice %arg6[%dma_wait3A_391] : memref<8388608xf32, #tpu.memory_space<hbm>> -> memref<8192xf32, #tpu.memory_space<hbm>>
        %dma_wait3A_393 = arith.constant 0 : i32
        %dma_wait3A_394 = tpu.memref_slice %arg6[%dma_wait3A_393] : memref<8388608xf32, #tpu.memory_space<hbm>> -> memref<8192xf32, #tpu.memory_space<hbm>>
        tpu.wait_dma2 semaphore(%arg29 : memref<!tpu.dma_semaphore, #tpu.memory_space<semaphore_mem>>) src(%arg9 : memref<8192xf32, #tpu.memory_space<vmem>>) dst(%dma_wait3A_394 : memref<8192xf32, #tpu.memory_space<hbm>>)
        %add3A_395 = arith.constant 4 : i32
        %add3A_396 = arith.addi %add3A_272, %add3A_395 : i32
        %mul3A_397 = arith.constant 8 : i32
        %mul3A_398 = arith.muli %add3A_396, %mul3A_397 : i32
        %multiple_of3A_399 = tpu.assume_multiple %mul3A_398, 8 : i32
        %and3A_400 = arith.constant 7 : i32
        %and3A_401 = vector.broadcast %and3A_400 : i32 to vector<16xi32>
        %and3A_402 = arith.andi %iota3A, %and3A_401 : vector<16xi32>
        %add3A_403 = vector.broadcast %multiple_of3A_399 : i32 to vector<16xi32>
        %add3A_404 = arith.addi %add3A_403, %and3A_402 : vector<16xi32>
        %gather3A_405 = tpu.vector_load_idx %arg7[%add3A_404] : memref<256xi32, #tpu.memory_space<vmem>>[vector<16xi32>], vector<16xi32>,
        %shift_right_arithmetic3A_406 = arith.constant 3 : i32
        %shift_right_arithmetic3A_407 = vector.broadcast %shift_right_arithmetic3A_406 : i32 to vector<16xi32>
        %shift_right_arithmetic3A_408 = arith.shrsi %gather3A_405, %shift_right_arithmetic3A_407 : vector<16xi32>
        %shift_left3A_409 = arith.constant 6 : i32
        %shift_left3A_410 = vector.broadcast %shift_left3A_409 : i32 to vector<16xi32>
        %shift_left3A_411 = arith.shli %shift_right_arithmetic3A_408, %shift_left3A_410 : vector<16xi32>
        %and3A_412 = arith.constant 7 : i32
        %and3A_413 = vector.broadcast %and3A_412 : i32 to vector<16xi32>
        %and3A_414 = arith.andi %gather3A_405, %and3A_413 : vector<16xi32>
        %add3A_415 = arith.addi %shift_left3A_411, %and3A_414 : vector<16xi32>
        %shift_right_arithmetic3A_416 = arith.constant 3 : i32
        %shift_right_arithmetic3A_417 = vector.broadcast %shift_right_arithmetic3A_416 : i32 to vector<16xi32>
        %shift_right_arithmetic3A_418 = arith.shrsi %iota3A, %shift_right_arithmetic3A_417 : vector<16xi32>
        %shift_left3A_419 = arith.constant 3 : i32
        %shift_left3A_420 = vector.broadcast %shift_left3A_419 : i32 to vector<16xi32>
        %shift_left3A_421 = arith.shli %shift_right_arithmetic3A_418, %shift_left3A_420 : vector<16xi32>
        %add3A_422 = arith.addi %add3A_415, %shift_left3A_421 : vector<16xi32>
        %add3A_423 = arith.constant 0 : i32
        %add3A_424 = vector.broadcast %add3A_423 : i32 to vector<16xi32>
        %add3A_425 = arith.addi %add3A_15, %add3A_424 : vector<16xi32>
        %add3A_426 = arith.constant 0 : i32
        %add3A_427 = vector.broadcast %add3A_426 : i32 to vector<16xi32>
        %add3A_428 = arith.addi %add3A_422, %add3A_427 : vector<16xi32>
        tpu.vector_store_idx %arg17[%add3A_425], %add3A_428 : memref<64xi32, #tpu.memory_space<vmem>>[vector<16xi32>], vector<16xi32>,
        %add3A_429 = arith.constant 16 : i32
        %add3A_430 = vector.broadcast %add3A_429 : i32 to vector<16xi32>
        %add3A_431 = arith.addi %add3A_15, %add3A_430 : vector<16xi32>
        %add3A_432 = arith.constant 16 : i32
        %add3A_433 = vector.broadcast %add3A_432 : i32 to vector<16xi32>
        %add3A_434 = arith.addi %add3A_422, %add3A_433 : vector<16xi32>
        tpu.vector_store_idx %arg17[%add3A_431], %add3A_434 : memref<64xi32, #tpu.memory_space<vmem>>[vector<16xi32>], vector<16xi32>,
        %add3A_435 = arith.constant 32 : i32
        %add3A_436 = vector.broadcast %add3A_435 : i32 to vector<16xi32>
        %add3A_437 = arith.addi %add3A_15, %add3A_436 : vector<16xi32>
        %add3A_438 = arith.constant 32 : i32
        %add3A_439 = vector.broadcast %add3A_438 : i32 to vector<16xi32>
        %add3A_440 = arith.addi %add3A_422, %add3A_439 : vector<16xi32>
        tpu.vector_store_idx %arg17[%add3A_437], %add3A_440 : memref<64xi32, #tpu.memory_space<vmem>>[vector<16xi32>], vector<16xi32>,
        %add3A_441 = arith.constant 48 : i32
        %add3A_442 = vector.broadcast %add3A_441 : i32 to vector<16xi32>
        %add3A_443 = arith.addi %add3A_15, %add3A_442 : vector<16xi32>
        %add3A_444 = arith.constant 48 : i32
        %add3A_445 = vector.broadcast %add3A_444 : i32 to vector<16xi32>
        %add3A_446 = arith.addi %add3A_422, %add3A_445 : vector<16xi32>
        tpu.vector_store_idx %arg17[%add3A_443], %add3A_446 : memref<64xi32, #tpu.memory_space<vmem>>[vector<16xi32>], vector<16xi32>,
        %dma_start3A_447 = arith.constant 0 : i32
        %dma_start3A_448 = arith.constant 0 : i32
        %dma_start3A_449 = tpu.memref_slice %arg5[%dma_start3A_447, %dma_start3A_448] : memref<16384x128xf32, #tpu.memory_space<hbm>> -> memref<16384x128xf32, #tpu.memory_space<hbm>>
        tpu.enqueue_indirect_dma source(%dma_start3A_449 : memref<16384x128xf32, #tpu.memory_space<hbm>>) target(%arg13 : memref<64x128xf32, #tpu.memory_space<vmem>>) offsets(%arg17 : memref<64xi32, #tpu.memory_space<vmem>>) semaphore(%arg21 : memref<!tpu.dma_semaphore, #tpu.memory_space<semaphore_mem>>)
        %add3A_450 = arith.addi %mul3A_2, %multiple_of3A_399 : i32
        %mul3A_451 = arith.constant 1024 : i32
        %mul3A_452 = arith.muli %add3A_450, %mul3A_451 : i32
        %multiple_of3A_453 = tpu.assume_multiple %mul3A_452, 8192 : i32
        %dma_start3A_454 = tpu.memref_slice %arg2[%multiple_of3A_453] : memref<8388608xf32, #tpu.memory_space<hbm>> -> memref<8192xf32, #tpu.memory_space<hbm>>
        %dma_start3A_455 = tpu.memref_slice %arg2[%multiple_of3A_453] : memref<8388608xf32, #tpu.memory_space<hbm>> -> memref<8192xf32, #tpu.memory_space<hbm>>
        tpu.enqueue_dma source(%dma_start3A_455 : memref<8192xf32, #tpu.memory_space<hbm>>) target(%arg9 : memref<8192xf32, #tpu.memory_space<vmem>>) target_semaphore(%arg25 : memref<!tpu.dma_semaphore, #tpu.memory_space<semaphore_mem>>)
      } else {
      }
      %add3A_298 = arith.constant 1 : i32
      %add3A_299 = arith.addi %add3A_270, %add3A_298 : i32
      %mul3A_300 = arith.constant 8 : i32
      %mul3A_301 = arith.muli %add3A_299, %mul3A_300 : i32
      %multiple_of3A_302 = tpu.assume_multiple %mul3A_301, 8 : i32
      %add3A_303 = arith.addi %mul3A_2, %multiple_of3A_302 : i32
      %mul3A_304 = arith.constant 1024 : i32
      %mul3A_305 = arith.muli %add3A_303, %mul3A_304 : i32
      %multiple_of3A_306 = tpu.assume_multiple %mul3A_305, 8192 : i32
      %dma_wait3A_307 = arith.constant 0 : i32
      %dma_wait3A_308 = arith.constant 0 : i32
      %dma_wait3A_309 = tpu.memref_slice %arg5[%dma_wait3A_307, %dma_wait3A_308] : memref<16384x128xf32, #tpu.memory_space<hbm>> -> memref<64x128xf32, #tpu.memory_space<hbm>>
      %dma_wait3A_310 = arith.constant 0 : i32
      %dma_wait3A_311 = arith.constant 0 : i32
      %dma_wait3A_312 = tpu.memref_slice %arg5[%dma_wait3A_310, %dma_wait3A_311] : memref<16384x128xf32, #tpu.memory_space<hbm>> -> memref<64x128xf32, #tpu.memory_space<hbm>>
      tpu.wait_dma2 semaphore(%arg22 : memref<!tpu.dma_semaphore, #tpu.memory_space<semaphore_mem>>) src(%dma_wait3A_312 : memref<64x128xf32, #tpu.memory_space<hbm>>) dst(%arg14 : memref<64x128xf32, #tpu.memory_space<vmem>>)
      %dma_wait3A_313 = arith.constant 0 : i32
      %dma_wait3A_314 = tpu.memref_slice %arg2[%dma_wait3A_313] : memref<8388608xf32, #tpu.memory_space<hbm>> -> memref<8192xf32, #tpu.memory_space<hbm>>
      %dma_wait3A_315 = arith.constant 0 : i32
      %dma_wait3A_316 = tpu.memref_slice %arg2[%dma_wait3A_315] : memref<8388608xf32, #tpu.memory_space<hbm>> -> memref<8192xf32, #tpu.memory_space<hbm>>
      tpu.wait_dma2 semaphore(%arg26 : memref<!tpu.dma_semaphore, #tpu.memory_space<semaphore_mem>>) src(%dma_wait3A_316 : memref<8192xf32, #tpu.memory_space<hbm>>) dst(%arg10 : memref<8192xf32, #tpu.memory_space<vmem>>)
      %parallel_loop3A_317 = arith.constant 0 : i32
      %parallel_loop3A_318 = arith.constant 8 : i32
      %parallel_loop3A_319 = arith.constant 1 : i32
      scf.for %parallel_loop3A_391 = %parallel_loop3A_317 to %parallel_loop3A_318 step %parallel_loop3A_319  : i32 {
        %parallel_loop3A_392 = arith.addi %multiple_of3A_302, %parallel_loop3A_391 : i32
        %parallel_loop3A_393 = vector.broadcast %parallel_loop3A_392 : i32 to vector<16xi32>
        %parallel_loop3A_394 = tpu.vector_load_idx %arg8[%parallel_loop3A_393] : memref<256xf32, #tpu.memory_space<vmem>>[vector<16xi32>], vector<16xf32>,
        %parallel_loop3A_395 = arith.constant 7 : i32
        %parallel_loop3A_396 = arith.andi %parallel_loop3A_391, %parallel_loop3A_395 : i32
        %parallel_loop3A_397 = arith.constant 7 : i32
        %parallel_loop3A_398 = arith.shli %parallel_loop3A_396, %parallel_loop3A_397 : i32
        %parallel_loop3A_399 = arith.constant 7 : i32
        %parallel_loop3A_400 = arith.andi %parallel_loop3A_391, %parallel_loop3A_399 : i32
        %parallel_loop3A_401 = arith.constant 0 : i32
        %parallel_loop3A_402 = arith.constant 8 : i32
        %parallel_loop3A_403 = arith.constant 1 : i32
        scf.for %parallel_loop3A_404 = %parallel_loop3A_401 to %parallel_loop3A_402 step %parallel_loop3A_403  : i32 {
          %parallel_loop3A_405 = arith.constant 10 : i32
          %parallel_loop3A_406 = arith.shli %parallel_loop3A_404, %parallel_loop3A_405 : i32
          %parallel_loop3A_407 = arith.addi %parallel_loop3A_398, %parallel_loop3A_406 : i32
          %parallel_loop3A_408 = arith.constant 3 : i32
          %parallel_loop3A_409 = arith.shli %parallel_loop3A_404, %parallel_loop3A_408 : i32
          %parallel_loop3A_410 = arith.addi %parallel_loop3A_400, %parallel_loop3A_409 : i32
          %parallel_loop3A_411 = arith.constant 0 : i32
          %parallel_loop3A_412 = arith.constant 128 : i32
          %parallel_loop3A_413 = arith.constant 16 : i32
          scf.for %parallel_loop3A_414 = %parallel_loop3A_411 to %parallel_loop3A_412 step %parallel_loop3A_413  : i32 {
            %parallel_loop3A_415 = arith.addi %parallel_loop3A_407, %parallel_loop3A_414 : i32
            %parallel_loop3A_416 = arith.index_cast %parallel_loop3A_415 : i32 to index
            %parallel_loop3A_417 = tpu.vector_load %arg10[%parallel_loop3A_416] {strides = array<i32>} : memref<8192xf32, #tpu.memory_space<vmem>>, vector<16xf32>,
            %parallel_loop3A_418 = arith.index_cast %parallel_loop3A_410 : i32 to index
            %parallel_loop3A_419 = arith.index_cast %parallel_loop3A_414 : i32 to index
            %parallel_loop3A_420 = tpu.vector_load %arg14[%parallel_loop3A_418, %parallel_loop3A_419] {strides = array<i32>} : memref<64x128xf32, #tpu.memory_space<vmem>>, vector<16xf32>,
            %parallel_loop3A_421 = arith.mulf %parallel_loop3A_394, %parallel_loop3A_420 : vector<16xf32>
            %parallel_loop3A_422 = arith.addf %parallel_loop3A_417, %parallel_loop3A_421 : vector<16xf32>
            %parallel_loop3A_423 = arith.index_cast %parallel_loop3A_415 : i32 to index
            %parallel_loop3A_424 = tpu.vector_load %arg10[%parallel_loop3A_423] {strides = array<i32>} : memref<8192xf32, #tpu.memory_space<vmem>>, vector<16xf32>,
            tpu.vector_store %arg10[%parallel_loop3A_423], %parallel_loop3A_422 {strides = array<i32>} : memref<8192xf32, #tpu.memory_space<vmem>>, vector<16xf32>,
          } {sc.loop_unroll_factor = 8 : i64, sc.parallel_access}
        } {sc.loop_unroll_factor = 1 : i64, sc.parallel_access}
      } {sc.loop_unroll_factor = 1 : i64, sc.parallel_access}
      %dma_start3A_320 = tpu.memref_slice %arg6[%multiple_of3A_306] : memref<8388608xf32, #tpu.memory_space<hbm>> -> memref<8192xf32, #tpu.memory_space<hbm>>
      %dma_start3A_321 = tpu.memref_slice %arg6[%multiple_of3A_306] : memref<8388608xf32, #tpu.memory_space<hbm>> -> memref<8192xf32, #tpu.memory_space<hbm>>
      tpu.enqueue_dma source(%arg10 : memref<8192xf32, #tpu.memory_space<vmem>>) target(%dma_start3A_321 : memref<8192xf32, #tpu.memory_space<hbm>>) target_semaphore(%arg30 : memref<!tpu.dma_semaphore, #tpu.memory_space<semaphore_mem>>)
      %add3A_322 = arith.constant 4 : i32
      %add3A_323 = arith.addi %add3A_299, %add3A_322 : i32
      %lt3A_324 = arith.constant 32 : i32
      %lt3A_325 = arith.cmpi slt, %add3A_323, %lt3A_324 : i32
      %convert_element_type3A_326 = arith.extui %lt3A_325 : i1 to i32
      %cond3A_327 = arith.constant 0 : i32
      %cond3A_328 = arith.cmpi ne, %convert_element_type3A_326, %cond3A_327 : i32
      scf.if %cond3A_328 {
        %dma_wait3A_391 = arith.constant 0 : i32
        %dma_wait3A_392 = tpu.memref_slice %arg6[%dma_wait3A_391] : memref<8388608xf32, #tpu.memory_space<hbm>> -> memref<8192xf32, #tpu.memory_space<hbm>>
        %dma_wait3A_393 = arith.constant 0 : i32
        %dma_wait3A_394 = tpu.memref_slice %arg6[%dma_wait3A_393] : memref<8388608xf32, #tpu.memory_space<hbm>> -> memref<8192xf32, #tpu.memory_space<hbm>>
        tpu.wait_dma2 semaphore(%arg30 : memref<!tpu.dma_semaphore, #tpu.memory_space<semaphore_mem>>) src(%arg10 : memref<8192xf32, #tpu.memory_space<vmem>>) dst(%dma_wait3A_394 : memref<8192xf32, #tpu.memory_space<hbm>>)
        %add3A_395 = arith.constant 4 : i32
        %add3A_396 = arith.addi %add3A_299, %add3A_395 : i32
        %mul3A_397 = arith.constant 8 : i32
        %mul3A_398 = arith.muli %add3A_396, %mul3A_397 : i32
        %multiple_of3A_399 = tpu.assume_multiple %mul3A_398, 8 : i32
        %and3A_400 = arith.constant 7 : i32
        %and3A_401 = vector.broadcast %and3A_400 : i32 to vector<16xi32>
        %and3A_402 = arith.andi %iota3A, %and3A_401 : vector<16xi32>
        %add3A_403 = vector.broadcast %multiple_of3A_399 : i32 to vector<16xi32>
        %add3A_404 = arith.addi %add3A_403, %and3A_402 : vector<16xi32>
        %gather3A_405 = tpu.vector_load_idx %arg7[%add3A_404] : memref<256xi32, #tpu.memory_space<vmem>>[vector<16xi32>], vector<16xi32>,
        %shift_right_arithmetic3A_406 = arith.constant 3 : i32
        %shift_right_arithmetic3A_407 = vector.broadcast %shift_right_arithmetic3A_406 : i32 to vector<16xi32>
        %shift_right_arithmetic3A_408 = arith.shrsi %gather3A_405, %shift_right_arithmetic3A_407 : vector<16xi32>
        %shift_left3A_409 = arith.constant 6 : i32
        %shift_left3A_410 = vector.broadcast %shift_left3A_409 : i32 to vector<16xi32>
        %shift_left3A_411 = arith.shli %shift_right_arithmetic3A_408, %shift_left3A_410 : vector<16xi32>
        %and3A_412 = arith.constant 7 : i32
        %and3A_413 = vector.broadcast %and3A_412 : i32 to vector<16xi32>
        %and3A_414 = arith.andi %gather3A_405, %and3A_413 : vector<16xi32>
        %add3A_415 = arith.addi %shift_left3A_411, %and3A_414 : vector<16xi32>
        %shift_right_arithmetic3A_416 = arith.constant 3 : i32
        %shift_right_arithmetic3A_417 = vector.broadcast %shift_right_arithmetic3A_416 : i32 to vector<16xi32>
        %shift_right_arithmetic3A_418 = arith.shrsi %iota3A, %shift_right_arithmetic3A_417 : vector<16xi32>
        %shift_left3A_419 = arith.constant 3 : i32
        %shift_left3A_420 = vector.broadcast %shift_left3A_419 : i32 to vector<16xi32>
        %shift_left3A_421 = arith.shli %shift_right_arithmetic3A_418, %shift_left3A_420 : vector<16xi32>
        %add3A_422 = arith.addi %add3A_415, %shift_left3A_421 : vector<16xi32>
        %add3A_423 = arith.constant 0 : i32
        %add3A_424 = vector.broadcast %add3A_423 : i32 to vector<16xi32>
        %add3A_425 = arith.addi %add3A_15, %add3A_424 : vector<16xi32>
        %add3A_426 = arith.constant 0 : i32
        %add3A_427 = vector.broadcast %add3A_426 : i32 to vector<16xi32>
        %add3A_428 = arith.addi %add3A_422, %add3A_427 : vector<16xi32>
        tpu.vector_store_idx %arg18[%add3A_425], %add3A_428 : memref<64xi32, #tpu.memory_space<vmem>>[vector<16xi32>], vector<16xi32>,
        %add3A_429 = arith.constant 16 : i32
        %add3A_430 = vector.broadcast %add3A_429 : i32 to vector<16xi32>
        %add3A_431 = arith.addi %add3A_15, %add3A_430 : vector<16xi32>
        %add3A_432 = arith.constant 16 : i32
        %add3A_433 = vector.broadcast %add3A_432 : i32 to vector<16xi32>
        %add3A_434 = arith.addi %add3A_422, %add3A_433 : vector<16xi32>
        tpu.vector_store_idx %arg18[%add3A_431], %add3A_434 : memref<64xi32, #tpu.memory_space<vmem>>[vector<16xi32>], vector<16xi32>,
        %add3A_435 = arith.constant 32 : i32
        %add3A_436 = vector.broadcast %add3A_435 : i32 to vector<16xi32>
        %add3A_437 = arith.addi %add3A_15, %add3A_436 : vector<16xi32>
        %add3A_438 = arith.constant 32 : i32
        %add3A_439 = vector.broadcast %add3A_438 : i32 to vector<16xi32>
        %add3A_440 = arith.addi %add3A_422, %add3A_439 : vector<16xi32>
        tpu.vector_store_idx %arg18[%add3A_437], %add3A_440 : memref<64xi32, #tpu.memory_space<vmem>>[vector<16xi32>], vector<16xi32>,
        %add3A_441 = arith.constant 48 : i32
        %add3A_442 = vector.broadcast %add3A_441 : i32 to vector<16xi32>
        %add3A_443 = arith.addi %add3A_15, %add3A_442 : vector<16xi32>
        %add3A_444 = arith.constant 48 : i32
        %add3A_445 = vector.broadcast %add3A_444 : i32 to vector<16xi32>
        %add3A_446 = arith.addi %add3A_422, %add3A_445 : vector<16xi32>
        tpu.vector_store_idx %arg18[%add3A_443], %add3A_446 : memref<64xi32, #tpu.memory_space<vmem>>[vector<16xi32>], vector<16xi32>,
        %dma_start3A_447 = arith.constant 0 : i32
        %dma_start3A_448 = arith.constant 0 : i32
        %dma_start3A_449 = tpu.memref_slice %arg5[%dma_start3A_447, %dma_start3A_448] : memref<16384x128xf32, #tpu.memory_space<hbm>> -> memref<16384x128xf32, #tpu.memory_space<hbm>>
        tpu.enqueue_indirect_dma source(%dma_start3A_449 : memref<16384x128xf32, #tpu.memory_space<hbm>>) target(%arg14 : memref<64x128xf32, #tpu.memory_space<vmem>>) offsets(%arg18 : memref<64xi32, #tpu.memory_space<vmem>>) semaphore(%arg22 : memref<!tpu.dma_semaphore, #tpu.memory_space<semaphore_mem>>)
        %add3A_450 = arith.addi %mul3A_2, %multiple_of3A_399 : i32
        %mul3A_451 = arith.constant 1024 : i32
        %mul3A_452 = arith.muli %add3A_450, %mul3A_451 : i32
        %multiple_of3A_453 = tpu.assume_multiple %mul3A_452, 8192 : i32
        %dma_start3A_454 = tpu.memref_slice %arg2[%multiple_of3A_453] : memref<8388608xf32, #tpu.memory_space<hbm>> -> memref<8192xf32, #tpu.memory_space<hbm>>
        %dma_start3A_455 = tpu.memref_slice %arg2[%multiple_of3A_453] : memref<8388608xf32, #tpu.memory_space<hbm>> -> memref<8192xf32, #tpu.memory_space<hbm>>
        tpu.enqueue_dma source(%dma_start3A_455 : memref<8192xf32, #tpu.memory_space<hbm>>) target(%arg10 : memref<8192xf32, #tpu.memory_space<vmem>>) target_semaphore(%arg26 : memref<!tpu.dma_semaphore, #tpu.memory_space<semaphore_mem>>)
      } else {
      }
      %add3A_329 = arith.constant 2 : i32
      %add3A_330 = arith.addi %add3A_270, %add3A_329 : i32
      %mul3A_331 = arith.constant 8 : i32
      %mul3A_332 = arith.muli %add3A_330, %mul3A_331 : i32
      %multiple_of3A_333 = tpu.assume_multiple %mul3A_332, 8 : i32
      %add3A_334 = arith.addi %mul3A_2, %multiple_of3A_333 : i32
      %mul3A_335 = arith.constant 1024 : i32
      %mul3A_336 = arith.muli %add3A_334, %mul3A_335 : i32
      %multiple_of3A_337 = tpu.assume_multiple %mul3A_336, 8192 : i32
      %dma_wait3A_338 = arith.constant 0 : i32
      %dma_wait3A_339 = arith.constant 0 : i32
      %dma_wait3A_340 = tpu.memref_slice %arg5[%dma_wait3A_338, %dma_wait3A_339] : memref<16384x128xf32, #tpu.memory_space<hbm>> -> memref<64x128xf32, #tpu.memory_space<hbm>>
      %dma_wait3A_341 = arith.constant 0 : i32
      %dma_wait3A_342 = arith.constant 0 : i32
      %dma_wait3A_343 = tpu.memref_slice %arg5[%dma_wait3A_341, %dma_wait3A_342] : memref<16384x128xf32, #tpu.memory_space<hbm>> -> memref<64x128xf32, #tpu.memory_space<hbm>>
      tpu.wait_dma2 semaphore(%arg23 : memref<!tpu.dma_semaphore, #tpu.memory_space<semaphore_mem>>) src(%dma_wait3A_343 : memref<64x128xf32, #tpu.memory_space<hbm>>) dst(%arg15 : memref<64x128xf32, #tpu.memory_space<vmem>>)
      %dma_wait3A_344 = arith.constant 0 : i32
      %dma_wait3A_345 = tpu.memref_slice %arg2[%dma_wait3A_344] : memref<8388608xf32, #tpu.memory_space<hbm>> -> memref<8192xf32, #tpu.memory_space<hbm>>
      %dma_wait3A_346 = arith.constant 0 : i32
      %dma_wait3A_347 = tpu.memref_slice %arg2[%dma_wait3A_346] : memref<8388608xf32, #tpu.memory_space<hbm>> -> memref<8192xf32, #tpu.memory_space<hbm>>
      tpu.wait_dma2 semaphore(%arg27 : memref<!tpu.dma_semaphore, #tpu.memory_space<semaphore_mem>>) src(%dma_wait3A_347 : memref<8192xf32, #tpu.memory_space<hbm>>) dst(%arg11 : memref<8192xf32, #tpu.memory_space<vmem>>)
      %parallel_loop3A_348 = arith.constant 0 : i32
      %parallel_loop3A_349 = arith.constant 8 : i32
      %parallel_loop3A_350 = arith.constant 1 : i32
      scf.for %parallel_loop3A_391 = %parallel_loop3A_348 to %parallel_loop3A_349 step %parallel_loop3A_350  : i32 {
        %parallel_loop3A_392 = arith.addi %multiple_of3A_333, %parallel_loop3A_391 : i32
        %parallel_loop3A_393 = vector.broadcast %parallel_loop3A_392 : i32 to vector<16xi32>
        %parallel_loop3A_394 = tpu.vector_load_idx %arg8[%parallel_loop3A_393] : memref<256xf32, #tpu.memory_space<vmem>>[vector<16xi32>], vector<16xf32>,
        %parallel_loop3A_395 = arith.constant 7 : i32
        %parallel_loop3A_396 = arith.andi %parallel_loop3A_391, %parallel_loop3A_395 : i32
        %parallel_loop3A_397 = arith.constant 7 : i32
        %parallel_loop3A_398 = arith.shli %parallel_loop3A_396, %parallel_loop3A_397 : i32
        %parallel_loop3A_399 = arith.constant 7 : i32
        %parallel_loop3A_400 = arith.andi %parallel_loop3A_391, %parallel_loop3A_399 : i32
        %parallel_loop3A_401 = arith.constant 0 : i32
        %parallel_loop3A_402 = arith.constant 8 : i32
        %parallel_loop3A_403 = arith.constant 1 : i32
        scf.for %parallel_loop3A_404 = %parallel_loop3A_401 to %parallel_loop3A_402 step %parallel_loop3A_403  : i32 {
          %parallel_loop3A_405 = arith.constant 10 : i32
          %parallel_loop3A_406 = arith.shli %parallel_loop3A_404, %parallel_loop3A_405 : i32
          %parallel_loop3A_407 = arith.addi %parallel_loop3A_398, %parallel_loop3A_406 : i32
          %parallel_loop3A_408 = arith.constant 3 : i32
          %parallel_loop3A_409 = arith.shli %parallel_loop3A_404, %parallel_loop3A_408 : i32
          %parallel_loop3A_410 = arith.addi %parallel_loop3A_400, %parallel_loop3A_409 : i32
          %parallel_loop3A_411 = arith.constant 0 : i32
          %parallel_loop3A_412 = arith.constant 128 : i32
          %parallel_loop3A_413 = arith.constant 16 : i32
          scf.for %parallel_loop3A_414 = %parallel_loop3A_411 to %parallel_loop3A_412 step %parallel_loop3A_413  : i32 {
            %parallel_loop3A_415 = arith.addi %parallel_loop3A_407, %parallel_loop3A_414 : i32
            %parallel_loop3A_416 = arith.index_cast %parallel_loop3A_415 : i32 to index
            %parallel_loop3A_417 = tpu.vector_load %arg11[%parallel_loop3A_416] {strides = array<i32>} : memref<8192xf32, #tpu.memory_space<vmem>>, vector<16xf32>,
            %parallel_loop3A_418 = arith.index_cast %parallel_loop3A_410 : i32 to index
            %parallel_loop3A_419 = arith.index_cast %parallel_loop3A_414 : i32 to index
            %parallel_loop3A_420 = tpu.vector_load %arg15[%parallel_loop3A_418, %parallel_loop3A_419] {strides = array<i32>} : memref<64x128xf32, #tpu.memory_space<vmem>>, vector<16xf32>,
            %parallel_loop3A_421 = arith.mulf %parallel_loop3A_394, %parallel_loop3A_420 : vector<16xf32>
            %parallel_loop3A_422 = arith.addf %parallel_loop3A_417, %parallel_loop3A_421 : vector<16xf32>
            %parallel_loop3A_423 = arith.index_cast %parallel_loop3A_415 : i32 to index
            %parallel_loop3A_424 = tpu.vector_load %arg11[%parallel_loop3A_423] {strides = array<i32>} : memref<8192xf32, #tpu.memory_space<vmem>>, vector<16xf32>,
            tpu.vector_store %arg11[%parallel_loop3A_423], %parallel_loop3A_422 {strides = array<i32>} : memref<8192xf32, #tpu.memory_space<vmem>>, vector<16xf32>,
          } {sc.loop_unroll_factor = 8 : i64, sc.parallel_access}
        } {sc.loop_unroll_factor = 1 : i64, sc.parallel_access}
      } {sc.loop_unroll_factor = 1 : i64, sc.parallel_access}
      %dma_start3A_351 = tpu.memref_slice %arg6[%multiple_of3A_337] : memref<8388608xf32, #tpu.memory_space<hbm>> -> memref<8192xf32, #tpu.memory_space<hbm>>
      %dma_start3A_352 = tpu.memref_slice %arg6[%multiple_of3A_337] : memref<8388608xf32, #tpu.memory_space<hbm>> -> memref<8192xf32, #tpu.memory_space<hbm>>
      tpu.enqueue_dma source(%arg11 : memref<8192xf32, #tpu.memory_space<vmem>>) target(%dma_start3A_352 : memref<8192xf32, #tpu.memory_space<hbm>>) target_semaphore(%arg31 : memref<!tpu.dma_semaphore, #tpu.memory_space<semaphore_mem>>)
      %add3A_353 = arith.constant 4 : i32
      %add3A_354 = arith.addi %add3A_330, %add3A_353 : i32
      %lt3A_355 = arith.constant 32 : i32
      %lt3A_356 = arith.cmpi slt, %add3A_354, %lt3A_355 : i32
      %convert_element_type3A_357 = arith.extui %lt3A_356 : i1 to i32
      %cond3A_358 = arith.constant 0 : i32
      %cond3A_359 = arith.cmpi ne, %convert_element_type3A_357, %cond3A_358 : i32
      scf.if %cond3A_359 {
        %dma_wait3A_391 = arith.constant 0 : i32
        %dma_wait3A_392 = tpu.memref_slice %arg6[%dma_wait3A_391] : memref<8388608xf32, #tpu.memory_space<hbm>> -> memref<8192xf32, #tpu.memory_space<hbm>>
        %dma_wait3A_393 = arith.constant 0 : i32
        %dma_wait3A_394 = tpu.memref_slice %arg6[%dma_wait3A_393] : memref<8388608xf32, #tpu.memory_space<hbm>> -> memref<8192xf32, #tpu.memory_space<hbm>>
        tpu.wait_dma2 semaphore(%arg31 : memref<!tpu.dma_semaphore, #tpu.memory_space<semaphore_mem>>) src(%arg11 : memref<8192xf32, #tpu.memory_space<vmem>>) dst(%dma_wait3A_394 : memref<8192xf32, #tpu.memory_space<hbm>>)
        %add3A_395 = arith.constant 4 : i32
        %add3A_396 = arith.addi %add3A_330, %add3A_395 : i32
        %mul3A_397 = arith.constant 8 : i32
        %mul3A_398 = arith.muli %add3A_396, %mul3A_397 : i32
        %multiple_of3A_399 = tpu.assume_multiple %mul3A_398, 8 : i32
        %and3A_400 = arith.constant 7 : i32
        %and3A_401 = vector.broadcast %and3A_400 : i32 to vector<16xi32>
        %and3A_402 = arith.andi %iota3A, %and3A_401 : vector<16xi32>
        %add3A_403 = vector.broadcast %multiple_of3A_399 : i32 to vector<16xi32>
        %add3A_404 = arith.addi %add3A_403, %and3A_402 : vector<16xi32>
        %gather3A_405 = tpu.vector_load_idx %arg7[%add3A_404] : memref<256xi32, #tpu.memory_space<vmem>>[vector<16xi32>], vector<16xi32>,
        %shift_right_arithmetic3A_406 = arith.constant 3 : i32
        %shift_right_arithmetic3A_407 = vector.broadcast %shift_right_arithmetic3A_406 : i32 to vector<16xi32>
        %shift_right_arithmetic3A_408 = arith.shrsi %gather3A_405, %shift_right_arithmetic3A_407 : vector<16xi32>
        %shift_left3A_409 = arith.constant 6 : i32
        %shift_left3A_410 = vector.broadcast %shift_left3A_409 : i32 to vector<16xi32>
        %shift_left3A_411 = arith.shli %shift_right_arithmetic3A_408, %shift_left3A_410 : vector<16xi32>
        %and3A_412 = arith.constant 7 : i32
        %and3A_413 = vector.broadcast %and3A_412 : i32 to vector<16xi32>
        %and3A_414 = arith.andi %gather3A_405, %and3A_413 : vector<16xi32>
        %add3A_415 = arith.addi %shift_left3A_411, %and3A_414 : vector<16xi32>
        %shift_right_arithmetic3A_416 = arith.constant 3 : i32
        %shift_right_arithmetic3A_417 = vector.broadcast %shift_right_arithmetic3A_416 : i32 to vector<16xi32>
        %shift_right_arithmetic3A_418 = arith.shrsi %iota3A, %shift_right_arithmetic3A_417 : vector<16xi32>
        %shift_left3A_419 = arith.constant 3 : i32
        %shift_left3A_420 = vector.broadcast %shift_left3A_419 : i32 to vector<16xi32>
        %shift_left3A_421 = arith.shli %shift_right_arithmetic3A_418, %shift_left3A_420 : vector<16xi32>
        %add3A_422 = arith.addi %add3A_415, %shift_left3A_421 : vector<16xi32>
        %add3A_423 = arith.constant 0 : i32
        %add3A_424 = vector.broadcast %add3A_423 : i32 to vector<16xi32>
        %add3A_425 = arith.addi %add3A_15, %add3A_424 : vector<16xi32>
        %add3A_426 = arith.constant 0 : i32
        %add3A_427 = vector.broadcast %add3A_426 : i32 to vector<16xi32>
        %add3A_428 = arith.addi %add3A_422, %add3A_427 : vector<16xi32>
        tpu.vector_store_idx %arg19[%add3A_425], %add3A_428 : memref<64xi32, #tpu.memory_space<vmem>>[vector<16xi32>], vector<16xi32>,
        %add3A_429 = arith.constant 16 : i32
        %add3A_430 = vector.broadcast %add3A_429 : i32 to vector<16xi32>
        %add3A_431 = arith.addi %add3A_15, %add3A_430 : vector<16xi32>
        %add3A_432 = arith.constant 16 : i32
        %add3A_433 = vector.broadcast %add3A_432 : i32 to vector<16xi32>
        %add3A_434 = arith.addi %add3A_422, %add3A_433 : vector<16xi32>
        tpu.vector_store_idx %arg19[%add3A_431], %add3A_434 : memref<64xi32, #tpu.memory_space<vmem>>[vector<16xi32>], vector<16xi32>,
        %add3A_435 = arith.constant 32 : i32
        %add3A_436 = vector.broadcast %add3A_435 : i32 to vector<16xi32>
        %add3A_437 = arith.addi %add3A_15, %add3A_436 : vector<16xi32>
        %add3A_438 = arith.constant 32 : i32
        %add3A_439 = vector.broadcast %add3A_438 : i32 to vector<16xi32>
        %add3A_440 = arith.addi %add3A_422, %add3A_439 : vector<16xi32>
        tpu.vector_store_idx %arg19[%add3A_437], %add3A_440 : memref<64xi32, #tpu.memory_space<vmem>>[vector<16xi32>], vector<16xi32>,
        %add3A_441 = arith.constant 48 : i32
        %add3A_442 = vector.broadcast %add3A_441 : i32 to vector<16xi32>
        %add3A_443 = arith.addi %add3A_15, %add3A_442 : vector<16xi32>
        %add3A_444 = arith.constant 48 : i32
        %add3A_445 = vector.broadcast %add3A_444 : i32 to vector<16xi32>
        %add3A_446 = arith.addi %add3A_422, %add3A_445 : vector<16xi32>
        tpu.vector_store_idx %arg19[%add3A_443], %add3A_446 : memref<64xi32, #tpu.memory_space<vmem>>[vector<16xi32>], vector<16xi32>,
        %dma_start3A_447 = arith.constant 0 : i32
        %dma_start3A_448 = arith.constant 0 : i32
        %dma_start3A_449 = tpu.memref_slice %arg5[%dma_start3A_447, %dma_start3A_448] : memref<16384x128xf32, #tpu.memory_space<hbm>> -> memref<16384x128xf32, #tpu.memory_space<hbm>>
        tpu.enqueue_indirect_dma source(%dma_start3A_449 : memref<16384x128xf32, #tpu.memory_space<hbm>>) target(%arg15 : memref<64x128xf32, #tpu.memory_space<vmem>>) offsets(%arg19 : memref<64xi32, #tpu.memory_space<vmem>>) semaphore(%arg23 : memref<!tpu.dma_semaphore, #tpu.memory_space<semaphore_mem>>)
        %add3A_450 = arith.addi %mul3A_2, %multiple_of3A_399 : i32
        %mul3A_451 = arith.constant 1024 : i32
        %mul3A_452 = arith.muli %add3A_450, %mul3A_451 : i32
        %multiple_of3A_453 = tpu.assume_multiple %mul3A_452, 8192 : i32
        %dma_start3A_454 = tpu.memref_slice %arg2[%multiple_of3A_453] : memref<8388608xf32, #tpu.memory_space<hbm>> -> memref<8192xf32, #tpu.memory_space<hbm>>
        %dma_start3A_455 = tpu.memref_slice %arg2[%multiple_of3A_453] : memref<8388608xf32, #tpu.memory_space<hbm>> -> memref<8192xf32, #tpu.memory_space<hbm>>
        tpu.enqueue_dma source(%dma_start3A_455 : memref<8192xf32, #tpu.memory_space<hbm>>) target(%arg11 : memref<8192xf32, #tpu.memory_space<vmem>>) target_semaphore(%arg27 : memref<!tpu.dma_semaphore, #tpu.memory_space<semaphore_mem>>)
      } else {
      }
      %add3A_360 = arith.constant 3 : i32
      %add3A_361 = arith.addi %add3A_270, %add3A_360 : i32
      %mul3A_362 = arith.constant 8 : i32
      %mul3A_363 = arith.muli %add3A_361, %mul3A_362 : i32
      %multiple_of3A_364 = tpu.assume_multiple %mul3A_363, 8 : i32
      %add3A_365 = arith.addi %mul3A_2, %multiple_of3A_364 : i32
      %mul3A_366 = arith.constant 1024 : i32
      %mul3A_367 = arith.muli %add3A_365, %mul3A_366 : i32
      %multiple_of3A_368 = tpu.assume_multiple %mul3A_367, 8192 : i32
      %dma_wait3A_369 = arith.constant 0 : i32
      %dma_wait3A_370 = arith.constant 0 : i32
      %dma_wait3A_371 = tpu.memref_slice %arg5[%dma_wait3A_369, %dma_wait3A_370] : memref<16384x128xf32, #tpu.memory_space<hbm>> -> memref<64x128xf32, #tpu.memory_space<hbm>>
      %dma_wait3A_372 = arith.constant 0 : i32
      %dma_wait3A_373 = arith.constant 0 : i32
      %dma_wait3A_374 = tpu.memref_slice %arg5[%dma_wait3A_372, %dma_wait3A_373] : memref<16384x128xf32, #tpu.memory_space<hbm>> -> memref<64x128xf32, #tpu.memory_space<hbm>>
      tpu.wait_dma2 semaphore(%arg24 : memref<!tpu.dma_semaphore, #tpu.memory_space<semaphore_mem>>) src(%dma_wait3A_374 : memref<64x128xf32, #tpu.memory_space<hbm>>) dst(%arg16 : memref<64x128xf32, #tpu.memory_space<vmem>>)
      %dma_wait3A_375 = arith.constant 0 : i32
      %dma_wait3A_376 = tpu.memref_slice %arg2[%dma_wait3A_375] : memref<8388608xf32, #tpu.memory_space<hbm>> -> memref<8192xf32, #tpu.memory_space<hbm>>
      %dma_wait3A_377 = arith.constant 0 : i32
      %dma_wait3A_378 = tpu.memref_slice %arg2[%dma_wait3A_377] : memref<8388608xf32, #tpu.memory_space<hbm>> -> memref<8192xf32, #tpu.memory_space<hbm>>
      tpu.wait_dma2 semaphore(%arg28 : memref<!tpu.dma_semaphore, #tpu.memory_space<semaphore_mem>>) src(%dma_wait3A_378 : memref<8192xf32, #tpu.memory_space<hbm>>) dst(%arg12 : memref<8192xf32, #tpu.memory_space<vmem>>)
      %parallel_loop3A_379 = arith.constant 0 : i32
      %parallel_loop3A_380 = arith.constant 8 : i32
      %parallel_loop3A_381 = arith.constant 1 : i32
      scf.for %parallel_loop3A_391 = %parallel_loop3A_379 to %parallel_loop3A_380 step %parallel_loop3A_381  : i32 {
        %parallel_loop3A_392 = arith.addi %multiple_of3A_364, %parallel_loop3A_391 : i32
        %parallel_loop3A_393 = vector.broadcast %parallel_loop3A_392 : i32 to vector<16xi32>
        %parallel_loop3A_394 = tpu.vector_load_idx %arg8[%parallel_loop3A_393] : memref<256xf32, #tpu.memory_space<vmem>>[vector<16xi32>], vector<16xf32>,
        %parallel_loop3A_395 = arith.constant 7 : i32
        %parallel_loop3A_396 = arith.andi %parallel_loop3A_391, %parallel_loop3A_395 : i32
        %parallel_loop3A_397 = arith.constant 7 : i32
        %parallel_loop3A_398 = arith.shli %parallel_loop3A_396, %parallel_loop3A_397 : i32
        %parallel_loop3A_399 = arith.constant 7 : i32
        %parallel_loop3A_400 = arith.andi %parallel_loop3A_391, %parallel_loop3A_399 : i32
        %parallel_loop3A_401 = arith.constant 0 : i32
        %parallel_loop3A_402 = arith.constant 8 : i32
        %parallel_loop3A_403 = arith.constant 1 : i32
        scf.for %parallel_loop3A_404 = %parallel_loop3A_401 to %parallel_loop3A_402 step %parallel_loop3A_403  : i32 {
          %parallel_loop3A_405 = arith.constant 10 : i32
          %parallel_loop3A_406 = arith.shli %parallel_loop3A_404, %parallel_loop3A_405 : i32
          %parallel_loop3A_407 = arith.addi %parallel_loop3A_398, %parallel_loop3A_406 : i32
          %parallel_loop3A_408 = arith.constant 3 : i32
          %parallel_loop3A_409 = arith.shli %parallel_loop3A_404, %parallel_loop3A_408 : i32
          %parallel_loop3A_410 = arith.addi %parallel_loop3A_400, %parallel_loop3A_409 : i32
          %parallel_loop3A_411 = arith.constant 0 : i32
          %parallel_loop3A_412 = arith.constant 128 : i32
          %parallel_loop3A_413 = arith.constant 16 : i32
          scf.for %parallel_loop3A_414 = %parallel_loop3A_411 to %parallel_loop3A_412 step %parallel_loop3A_413  : i32 {
            %parallel_loop3A_415 = arith.addi %parallel_loop3A_407, %parallel_loop3A_414 : i32
            %parallel_loop3A_416 = arith.index_cast %parallel_loop3A_415 : i32 to index
            %parallel_loop3A_417 = tpu.vector_load %arg12[%parallel_loop3A_416] {strides = array<i32>} : memref<8192xf32, #tpu.memory_space<vmem>>, vector<16xf32>,
            %parallel_loop3A_418 = arith.index_cast %parallel_loop3A_410 : i32 to index
            %parallel_loop3A_419 = arith.index_cast %parallel_loop3A_414 : i32 to index
            %parallel_loop3A_420 = tpu.vector_load %arg16[%parallel_loop3A_418, %parallel_loop3A_419] {strides = array<i32>} : memref<64x128xf32, #tpu.memory_space<vmem>>, vector<16xf32>,
            %parallel_loop3A_421 = arith.mulf %parallel_loop3A_394, %parallel_loop3A_420 : vector<16xf32>
            %parallel_loop3A_422 = arith.addf %parallel_loop3A_417, %parallel_loop3A_421 : vector<16xf32>
            %parallel_loop3A_423 = arith.index_cast %parallel_loop3A_415 : i32 to index
            %parallel_loop3A_424 = tpu.vector_load %arg12[%parallel_loop3A_423] {strides = array<i32>} : memref<8192xf32, #tpu.memory_space<vmem>>, vector<16xf32>,
            tpu.vector_store %arg12[%parallel_loop3A_423], %parallel_loop3A_422 {strides = array<i32>} : memref<8192xf32, #tpu.memory_space<vmem>>, vector<16xf32>,
          } {sc.loop_unroll_factor = 8 : i64, sc.parallel_access}
        } {sc.loop_unroll_factor = 1 : i64, sc.parallel_access}
      } {sc.loop_unroll_factor = 1 : i64, sc.parallel_access}
      %dma_start3A_382 = tpu.memref_slice %arg6[%multiple_of3A_368] : memref<8388608xf32, #tpu.memory_space<hbm>> -> memref<8192xf32, #tpu.memory_space<hbm>>
      %dma_start3A_383 = tpu.memref_slice %arg6[%multiple_of3A_368] : memref<8388608xf32, #tpu.memory_space<hbm>> -> memref<8192xf32, #tpu.memory_space<hbm>>
      tpu.enqueue_dma source(%arg12 : memref<8192xf32, #tpu.memory_space<vmem>>) target(%dma_start3A_383 : memref<8192xf32, #tpu.memory_space<hbm>>) target_semaphore(%arg32 : memref<!tpu.dma_semaphore, #tpu.memory_space<semaphore_mem>>)
      %add3A_384 = arith.constant 4 : i32
      %add3A_385 = arith.addi %add3A_361, %add3A_384 : i32
      %lt3A_386 = arith.constant 32 : i32
      %lt3A_387 = arith.cmpi slt, %add3A_385, %lt3A_386 : i32
      %convert_element_type3A_388 = arith.extui %lt3A_387 : i1 to i32
      %cond3A_389 = arith.constant 0 : i32
      %cond3A_390 = arith.cmpi ne, %convert_element_type3A_388, %cond3A_389 : i32
      scf.if %cond3A_390 {
        %dma_wait3A_391 = arith.constant 0 : i32
        %dma_wait3A_392 = tpu.memref_slice %arg6[%dma_wait3A_391] : memref<8388608xf32, #tpu.memory_space<hbm>> -> memref<8192xf32, #tpu.memory_space<hbm>>
        %dma_wait3A_393 = arith.constant 0 : i32
        %dma_wait3A_394 = tpu.memref_slice %arg6[%dma_wait3A_393] : memref<8388608xf32, #tpu.memory_space<hbm>> -> memref<8192xf32, #tpu.memory_space<hbm>>
        tpu.wait_dma2 semaphore(%arg32 : memref<!tpu.dma_semaphore, #tpu.memory_space<semaphore_mem>>) src(%arg12 : memref<8192xf32, #tpu.memory_space<vmem>>) dst(%dma_wait3A_394 : memref<8192xf32, #tpu.memory_space<hbm>>)
        %add3A_395 = arith.constant 4 : i32
        %add3A_396 = arith.addi %add3A_361, %add3A_395 : i32
        %mul3A_397 = arith.constant 8 : i32
        %mul3A_398 = arith.muli %add3A_396, %mul3A_397 : i32
        %multiple_of3A_399 = tpu.assume_multiple %mul3A_398, 8 : i32
        %and3A_400 = arith.constant 7 : i32
        %and3A_401 = vector.broadcast %and3A_400 : i32 to vector<16xi32>
        %and3A_402 = arith.andi %iota3A, %and3A_401 : vector<16xi32>
        %add3A_403 = vector.broadcast %multiple_of3A_399 : i32 to vector<16xi32>
        %add3A_404 = arith.addi %add3A_403, %and3A_402 : vector<16xi32>
        %gather3A_405 = tpu.vector_load_idx %arg7[%add3A_404] : memref<256xi32, #tpu.memory_space<vmem>>[vector<16xi32>], vector<16xi32>,
        %shift_right_arithmetic3A_406 = arith.constant 3 : i32
        %shift_right_arithmetic3A_407 = vector.broadcast %shift_right_arithmetic3A_406 : i32 to vector<16xi32>
        %shift_right_arithmetic3A_408 = arith.shrsi %gather3A_405, %shift_right_arithmetic3A_407 : vector<16xi32>
        %shift_left3A_409 = arith.constant 6 : i32
        %shift_left3A_410 = vector.broadcast %shift_left3A_409 : i32 to vector<16xi32>
        %shift_left3A_411 = arith.shli %shift_right_arithmetic3A_408, %shift_left3A_410 : vector<16xi32>
        %and3A_412 = arith.constant 7 : i32
        %and3A_413 = vector.broadcast %and3A_412 : i32 to vector<16xi32>
        %and3A_414 = arith.andi %gather3A_405, %and3A_413 : vector<16xi32>
        %add3A_415 = arith.addi %shift_left3A_411, %and3A_414 : vector<16xi32>
        %shift_right_arithmetic3A_416 = arith.constant 3 : i32
        %shift_right_arithmetic3A_417 = vector.broadcast %shift_right_arithmetic3A_416 : i32 to vector<16xi32>
        %shift_right_arithmetic3A_418 = arith.shrsi %iota3A, %shift_right_arithmetic3A_417 : vector<16xi32>
        %shift_left3A_419 = arith.constant 3 : i32
        %shift_left3A_420 = vector.broadcast %shift_left3A_419 : i32 to vector<16xi32>
        %shift_left3A_421 = arith.shli %shift_right_arithmetic3A_418, %shift_left3A_420 : vector<16xi32>
        %add3A_422 = arith.addi %add3A_415, %shift_left3A_421 : vector<16xi32>
        %add3A_423 = arith.constant 0 : i32
        %add3A_424 = vector.broadcast %add3A_423 : i32 to vector<16xi32>
        %add3A_425 = arith.addi %add3A_15, %add3A_424 : vector<16xi32>
        %add3A_426 = arith.constant 0 : i32
        %add3A_427 = vector.broadcast %add3A_426 : i32 to vector<16xi32>
        %add3A_428 = arith.addi %add3A_422, %add3A_427 : vector<16xi32>
        tpu.vector_store_idx %arg20[%add3A_425], %add3A_428 : memref<64xi32, #tpu.memory_space<vmem>>[vector<16xi32>], vector<16xi32>,
        %add3A_429 = arith.constant 16 : i32
        %add3A_430 = vector.broadcast %add3A_429 : i32 to vector<16xi32>
        %add3A_431 = arith.addi %add3A_15, %add3A_430 : vector<16xi32>
        %add3A_432 = arith.constant 16 : i32
        %add3A_433 = vector.broadcast %add3A_432 : i32 to vector<16xi32>
        %add3A_434 = arith.addi %add3A_422, %add3A_433 : vector<16xi32>
        tpu.vector_store_idx %arg20[%add3A_431], %add3A_434 : memref<64xi32, #tpu.memory_space<vmem>>[vector<16xi32>], vector<16xi32>,
        %add3A_435 = arith.constant 32 : i32
        %add3A_436 = vector.broadcast %add3A_435 : i32 to vector<16xi32>
        %add3A_437 = arith.addi %add3A_15, %add3A_436 : vector<16xi32>
        %add3A_438 = arith.constant 32 : i32
        %add3A_439 = vector.broadcast %add3A_438 : i32 to vector<16xi32>
        %add3A_440 = arith.addi %add3A_422, %add3A_439 : vector<16xi32>
        tpu.vector_store_idx %arg20[%add3A_437], %add3A_440 : memref<64xi32, #tpu.memory_space<vmem>>[vector<16xi32>], vector<16xi32>,
        %add3A_441 = arith.constant 48 : i32
        %add3A_442 = vector.broadcast %add3A_441 : i32 to vector<16xi32>
        %add3A_443 = arith.addi %add3A_15, %add3A_442 : vector<16xi32>
        %add3A_444 = arith.constant 48 : i32
        %add3A_445 = vector.broadcast %add3A_444 : i32 to vector<16xi32>
        %add3A_446 = arith.addi %add3A_422, %add3A_445 : vector<16xi32>
        tpu.vector_store_idx %arg20[%add3A_443], %add3A_446 : memref<64xi32, #tpu.memory_space<vmem>>[vector<16xi32>], vector<16xi32>,
        %dma_start3A_447 = arith.constant 0 : i32
        %dma_start3A_448 = arith.constant 0 : i32
        %dma_start3A_449 = tpu.memref_slice %arg5[%dma_start3A_447, %dma_start3A_448] : memref<16384x128xf32, #tpu.memory_space<hbm>> -> memref<16384x128xf32, #tpu.memory_space<hbm>>
        tpu.enqueue_indirect_dma source(%dma_start3A_449 : memref<16384x128xf32, #tpu.memory_space<hbm>>) target(%arg16 : memref<64x128xf32, #tpu.memory_space<vmem>>) offsets(%arg20 : memref<64xi32, #tpu.memory_space<vmem>>) semaphore(%arg24 : memref<!tpu.dma_semaphore, #tpu.memory_space<semaphore_mem>>)
        %add3A_450 = arith.addi %mul3A_2, %multiple_of3A_399 : i32
        %mul3A_451 = arith.constant 1024 : i32
        %mul3A_452 = arith.muli %add3A_450, %mul3A_451 : i32
        %multiple_of3A_453 = tpu.assume_multiple %mul3A_452, 8192 : i32
        %dma_start3A_454 = tpu.memref_slice %arg2[%multiple_of3A_453] : memref<8388608xf32, #tpu.memory_space<hbm>> -> memref<8192xf32, #tpu.memory_space<hbm>>
        %dma_start3A_455 = tpu.memref_slice %arg2[%multiple_of3A_453] : memref<8388608xf32, #tpu.memory_space<hbm>> -> memref<8192xf32, #tpu.memory_space<hbm>>
        tpu.enqueue_dma source(%dma_start3A_455 : memref<8192xf32, #tpu.memory_space<hbm>>) target(%arg12 : memref<8192xf32, #tpu.memory_space<vmem>>) target_semaphore(%arg28 : memref<!tpu.dma_semaphore, #tpu.memory_space<semaphore_mem>>)
      } else {
      }
    }
    %scan3A_249 = arith.constant 8 : i32
    %dma_wait3A_250 = arith.constant 0 : i32
    %dma_wait3A_251 = tpu.memref_slice %arg6[%dma_wait3A_250] : memref<8388608xf32, #tpu.memory_space<hbm>> -> memref<8192xf32, #tpu.memory_space<hbm>>
    %dma_wait3A_252 = arith.constant 0 : i32
    %dma_wait3A_253 = tpu.memref_slice %arg6[%dma_wait3A_252] : memref<8388608xf32, #tpu.memory_space<hbm>> -> memref<8192xf32, #tpu.memory_space<hbm>>
    tpu.wait_dma2 semaphore(%arg29 : memref<!tpu.dma_semaphore, #tpu.memory_space<semaphore_mem>>) src(%arg9 : memref<8192xf32, #tpu.memory_space<vmem>>) dst(%dma_wait3A_253 : memref<8192xf32, #tpu.memory_space<hbm>>)
    %dma_wait3A_254 = arith.constant 0 : i32
    %dma_wait3A_255 = tpu.memref_slice %arg6[%dma_wait3A_254] : memref<8388608xf32, #tpu.memory_space<hbm>> -> memref<8192xf32, #tpu.memory_space<hbm>>
    %dma_wait3A_256 = arith.constant 0 : i32
    %dma_wait3A_257 = tpu.memref_slice %arg6[%dma_wait3A_256] : memref<8388608xf32, #tpu.memory_space<hbm>> -> memref<8192xf32, #tpu.memory_space<hbm>>
    tpu.wait_dma2 semaphore(%arg30 : memref<!tpu.dma_semaphore, #tpu.memory_space<semaphore_mem>>) src(%arg10 : memref<8192xf32, #tpu.memory_space<vmem>>) dst(%dma_wait3A_257 : memref<8192xf32, #tpu.memory_space<hbm>>)
    %dma_wait3A_258 = arith.constant 0 : i32
    %dma_wait3A_259 = tpu.memref_slice %arg6[%dma_wait3A_258] : memref<8388608xf32, #tpu.memory_space<hbm>> -> memref<8192xf32, #tpu.memory_space<hbm>>
    %dma_wait3A_260 = arith.constant 0 : i32
    %dma_wait3A_261 = tpu.memref_slice %arg6[%dma_wait3A_260] : memref<8388608xf32, #tpu.memory_space<hbm>> -> memref<8192xf32, #tpu.memory_space<hbm>>
    tpu.wait_dma2 semaphore(%arg31 : memref<!tpu.dma_semaphore, #tpu.memory_space<semaphore_mem>>) src(%arg11 : memref<8192xf32, #tpu.memory_space<vmem>>) dst(%dma_wait3A_261 : memref<8192xf32, #tpu.memory_space<hbm>>)
    %dma_wait3A_262 = arith.constant 0 : i32
    %dma_wait3A_263 = tpu.memref_slice %arg6[%dma_wait3A_262] : memref<8388608xf32, #tpu.memory_space<hbm>> -> memref<8192xf32, #tpu.memory_space<hbm>>
    %dma_wait3A_264 = arith.constant 0 : i32
    %dma_wait3A_265 = tpu.memref_slice %arg6[%dma_wait3A_264] : memref<8388608xf32, #tpu.memory_space<hbm>> -> memref<8192xf32, #tpu.memory_space<hbm>>
    tpu.wait_dma2 semaphore(%arg32 : memref<!tpu.dma_semaphore, #tpu.memory_space<semaphore_mem>>) src(%arg12 : memref<8192xf32, #tpu.memory_space<vmem>>) dst(%dma_wait3A_265 : memref<8192xf32, #tpu.memory_space<hbm>>)
    return
  }
}

</mosaic_0001>

<sc_bundles>
// kernel: kernel.3.cloned.1.call-start
scs
__scs_entry_jumppad:
0x0: {  	(pc) =	sbr.rel $0x88, $3  }
0x1: {  	(tag) =	ssettag $0x0;
	lr =	simm.s32 $0x1  }
0x2: {  	[smem:$0x3F9D] =	sst lr;
	_ =	strace $0xD0000000  }
0x3: {  	_ = 	snop  }
0x4: {  	_ = 	snop  }
0x5: {  	_ = 	snop  }
0x6: {  	_ = 	snop  }
0x7: {  	_ = 	snop  }
__scs_overlays_trampoline_lowered:
0x8: {  	[smem:$0x3FAC] =	sst s0  }
0x9: {  	[smem:$0x3FAD] =	sst s1  }
0xa: {  	[smem:$0x3FAE] =	sst s2  }
0xb: {  	[smem:$0x3FAF] =	sst s3  }
0xc: {  	[smem:$0x3FB0] =	sst s4  }
0xd: {  	[smem:$0x3FB1] =	sst s5  }
0xe: {  	[smem:$0x3FB2] =	sst s6  }
0xf: {  	[smem:$0x3FB3] =	sst s7  }
0x10: {  	[smem:$0x3FB4] =	sst s8  }
0x11: {  	[smem:$0x3FB5] =	sst s9;
	s0 =	simm.s32 @!p0 $0x0  }
0x12: {  	s1 =	sld [smem:$0x3F9B];
	s0 =	simm.s32 @p0 $0x1  }
0x13: {  	[smem:$0x3FB6] =	sst s0;
	s0 =	simm.s32 @!p1 $0x0  }
0x14: {  	s2 =	sld [smem:$0x3F9A];
	s0 =	simm.s32 @p1 $0x1  }
0x15: {  	[smem:$0x3FB7] =	sst s0;
	s0 =	simm.s32 @!p2 $0x0  }
0x16: {  	s3 =	sld [smem:$0x3FDB];
	s0 =	simm.s32 @p2 $0x1  }
0x17: {  	s4 =	simm.s32 $0x1BF5;
	[smem:$0x3FB9] =	sst s0  }
0x18: {  	s0 =	sld [smem:$0x3F9C];
	_ =	swait.ge [sflag:s4], $0x0  }
0x19: {  	s7 =	sld [smem:$0x3F9D]  }
0x1a: {  	s8 =	sadd.s32 $0xFFFFE003, lr  }
0x1b: {  	s9 =	sadd.s32 $0xFFFFFEF7, lr;
	s5 =	simm.s32 $0xFFFFFFFF;
	p2 =	slt.u32 s8, $0xFFFFF086  }
0x1c: {  	p1 =	slt.u32 s9, $0xF7A;
	s5 =	simm.s32 @!p2 $0x0  }
0x1d: {  	s5 =	simm.s32 @p1 $0x1;
	p0 =	seq.s32 s7, s2  }
0x1e: {  	s7 =	smul.u32 @!p0 $0xF7A, s2;
	p2 =	seq.s32 @!p0 s5, $0x0  }
0x1f: {  	s9 =	smul.u32 $0xF7A, s1;
	s8 =	simm.s32 @!p0 $0x1BF5;
	p2 =	por !p2, p0  }
0x20: {  	[sflag:s8] =	ssyncset.s32 @!p0 $0xFFFFF086;
	s6 =	sadd.s32 @!p0 s3, s7;
	s7 =	simm.s32 @!p0 $0x108  }
0x21: {  	s3 =	sadd.s32 s3, s9;
	s6 =	sadd.s32 @!p0 $0x88, s6;
	s7 =	simm.s32 @p2 $0x1082  }
0x22: {  	[simem:s7], [sflag:s8] =	dma.local @!p0 [hbm:s6], $0xF7A  }
0x23: {  	s9 =	sor.u32 $0xD0000000, s2;
	s6 =	simm.s32 $0x108;
	_ =	swait.ge @!p0 [sflag:s8], $0x0  }
0x24: {  	s3 =	sadd.s32 $0x88, s3;
	s6 =	simm.s32 @!p1 $0x1082;
	[sflag:s4] =	ssyncset.s32 $0xFFFFF086  }
0x25: {  	[simem:s6], [sflag:s4] =	dma.local [hbm:s3], $0xF7A  }
0x26: {  	[smem:$0x3F9D] =	sst s1;
	(tag) =	ssettag s2;
	_ =	strace s9  }
0x27: {  	s1 =	sld [smem:$0x3FAD]  }
0x28: {  	s2 =	sld [smem:$0x3FAE]  }
0x29: {  	s4 =	sld [smem:$0x3FB0]  }
0x2a: {  	p0 =	seq.s32 s5, $0x0;
	s5 =	sld [smem:$0x3FB1]  }
0x2b: {  	s6 =	sld [smem:$0x3FB2]  }
0x2c: {  	s7 =	sld [smem:$0x3FB3]  }
0x2d: {  	s3 =	simm.s32 $0x108;
	s8 =	sld [smem:$0x3FB4]  }
0x2e: {  	s3 =	simm.s32 @!p0 $0x1082;
	s9 =	sld [smem:$0x3FB5]  }
0x2f: {  	lr =	sadd.s32 s0, s3;
	s0 =	sld [smem:$0x3FAC]  }
0x30: {  	s3 =	sld [smem:$0x3FAF]  }
0x31: {  	[smem:$0x3FB8] =	sst s10  }
0x32: {  	s10 =	sld [smem:$0x3FB6];
	_ =	sdelay $0x3  }
0x33: {  	p0 =	seq.s32 s10, $0x1;
	s10 =	sld [smem:$0x3FB8];
	_ =	sdelay $0x3  }
0x34: {  	[smem:$0x3FB8] =	sst s10  }
0x35: {  	s10 =	sld [smem:$0x3FB7];
	_ =	sdelay $0x3  }
0x36: {  	p1 =	seq.s32 s10, $0x1;
	s10 =	sld [smem:$0x3FB8];
	_ =	sdelay $0x3  }
0x37: {  	[smem:$0x3FB8] =	sst s10  }
0x38: {  	s10 =	sld [smem:$0x3FB9]  }
0x39: {  	_ = 	snop;
	(pc) =	sbr.ind lr, $3  }
0x3a: {  	_ = 	snop  }
0x3b: {  	_ = 	snop  }
0x3c: {  	p2 =	seq.s32 s10, $0x1;
	s10 =	sld [smem:$0x3FB8]  }
0x3d: {  	_ =	shalt  }
0x3e: {  	_ =	shalt  }
0x3f: {  	_ =	shalt  }
0x40: {  	_ =	shalt  }
0x41: {  	_ =	shalt  }
0x42: {  	_ =	shalt  }
0x43: {  	_ =	shalt  }
0x44: {  	_ =	shalt  }
0x45: {  	_ =	shalt  }
0x46: {  	_ =	shalt  }
0x47: {  	_ =	shalt  }
0x48: {  	_ =	shalt  }
0x49: {  	_ =	shalt  }
0x4a: {  	_ =	shalt  }
0x4b: {  	_ =	shalt  }
0x4c: {  	_ =	shalt  }
0x4d: {  	_ =	shalt  }
0x4e: {  	_ =	shalt  }
0x4f: {  	_ =	shalt  }
0x50: {  	_ =	shalt  }
0x51: {  	_ =	shalt  }
0x52: {  	_ =	shalt  }
0x53: {  	_ =	shalt  }
0x54: {  	_ =	shalt  }
0x55: {  	_ =	shalt  }
0x56: {  	_ =	shalt  }
0x57: {  	_ =	shalt  }
0x58: {  	_ =	shalt  }
0x59: {  	_ =	shalt  }
0x5a: {  	_ =	shalt  }
0x5b: {  	_ =	shalt  }
0x5c: {  	_ =	shalt  }
0x5d: {  	_ =	shalt  }
0x5e: {  	_ =	shalt  }
0x5f: {  	_ =	shalt  }
0x60: {  	_ =	shalt  }
0x61: {  	_ =	shalt  }
0x62: {  	_ =	shalt  }
0x63: {  	_ =	shalt  }
0x64: {  	_ =	shalt  }
0x65: {  	_ =	shalt  }
0x66: {  	_ =	shalt  }
0x67: {  	_ =	shalt  }
0x68: {  	_ =	shalt  }
0x69: {  	_ =	shalt  }
0x6a: {  	_ =	shalt  }
0x6b: {  	_ =	shalt  }
0x6c: {  	_ =	shalt  }
0x6d: {  	_ =	shalt  }
0x6e: {  	_ =	shalt  }
0x6f: {  	_ =	shalt  }
0x70: {  	_ =	shalt  }
0x71: {  	_ =	shalt  }
0x72: {  	_ =	shalt  }
0x73: {  	_ =	shalt  }
0x74: {  	_ =	shalt  }
0x75: {  	_ =	shalt  }
0x76: {  	_ =	shalt  }
0x77: {  	_ =	shalt  }
0x78: {  	_ =	shalt  }
0x79: {  	_ =	shalt  }
0x7a: {  	_ =	shalt  }
0x7b: {  	_ =	shalt  }
0x7c: {  	_ =	shalt  }
0x7d: {  	_ =	shalt  }
0x7e: {  	_ =	shalt  }
0x7f: {  	_ =	shalt  }
0x80: {  	_ =	shalt  }
0x81: {  	_ =	shalt  }
0x82: {  	_ =	shalt  }
0x83: {  	_ =	shalt  }
0x84: {  	_ =	shalt  }
0x85: {  	_ =	shalt  }
0x86: {  	_ =	shalt  }
0x87: {  	_ =	shalt  }
.Lfunc_end0:
.L_simem_size_0:
called_computation_lowered:
.L_overlay_start_0:
0x88: {  	s2 =	sld [smem:$0x3FD9]  }
0x89: {  	s3 =	sld [smem:$0x3FFE];
	_ =	sdelay $0x1  }
0x8a: {  	s1 =	srdreg.scid  }
0x8b: {  	s0 =	sand.u32 $0x1, s1  }
0x8c: {  	s17 =	sshll.u32 s0, $0xA;
	s2 =	sadd.s32 s3, s2  }
0x8d: {  	s2 =	sadd.s32 s2, s17  }
0x8e: {  	[smem:$0x3FC4] =	sst s2  }
0x8f: {  	_ = 	snop  }
0x90: {  	s2 =	sld [smem:$0x3FC9]  }
0x91: {  	s18 =	sld [smem:$0x3FC6]  }
0x92: {  	s4 =	sld [smem:$0x3FD0];
	(tm) =	ssettm $0x1  }
0x93: {  	s5 =	sld [smem:$0x3FFB];
	_ =	sdelay $0x3  }
0x94: {  	_ =	strace s5  }
0x95: {  	s5 =	sld [smem:$0x3FFC];
	_ =	sdelay $0x3  }
0x96: {  	_ =	strace s5  }
0x97: {  	s5 =	sld [smem:$0x3FFD];
	_ =	sdelay $0x3  }
0x98: {  	_ =	strace s5  }
0x99: {  	_ =	strace $0x8FFFFFFF  }
0x9a: {  	s19 =	sld [smem:$0x3FDB];
	_ =	sdelay $0x1  }
0x9b: {  	s6 =	simm.s32 $_scs_section_size  }
0x9c: {  	s7 =	simm.s32 $_size__tile_overlayer_lowered;
	s8 =	simm.s32 $_tile_overlayer_lowered  }
0x9d: {  	s22 =	simm.s32 $0x1BFF;
	s21 =	sshll.u32 s8, $0x1;
	s5 =	sadd.s32 s6, s19  }
0x9e: {  	s9 =	simm.s32 $0x0;
	s20 =	sshll.u32 s7, $0x1;
	s7 =	sadd.s32 s21, s5  }
0x9f: {  	[timem:s9], [sflag:s22] =	dma.local [hbm:s7], s20  }
0xa0: {  	_ =	swait.ge [sflag:s22], s20  }
0xa1: {  	s6 =	ssub.s32 $0x0, s20;
	[sflag:s22] =	ssyncset.done $0x0  }
0xa2: {  	[sflag:s22] =	ssyncadd.s32 s6;
	_ =	sdelay $0x1  }
0xa3: {  	s23 =	simm.s32 $0x1B8B  }
0xa4: {  	_ =	swait.ge [sflag:s23], $0x1  }
0xa5: {  	[sflag:s23] =	ssyncset.done $0x0  }
0xa6: {  	s25 =	simm.s32 $0x1B8E;
	s24 =	sld [smem:$0x3FFE];
	[sflag:s23] =	ssyncadd.s32 $0xFFFFFFFF  }
0xa7: {  	s26 =	simm.s32 $execute0_lowered;
	[smem:$0x3FD2] =	sst s25  }
0xa8: {  	s7 =	sshll.u32 s26, $0x1;
	_ =	strace $0x80000046;
	[dreg:$0x1] =	wrdreg $0xFFFFFFFF  }
0xa9: {  	s28 =	simm.s32 $_size_execute0_lowered;
	s5 =	sadd.s32 s5, s7;
	[dreg:$0x0] =	wrdreg $0x0  }
0xaa: {  	s7 =	sshll.u32 s28, $0x1;
	[dreg:$0x2] =	wrdreg s5  }
0xab: {  	[dreg:$0x3] =	wrdreg s7  }
0xac: {  	[dreg:$0x4] =	wrdreg $0xC0  }
0xad: {  	_ =	task [dreg:s9], $0x5FFFF  }
0xae: {  	[dreg:$0x1] =	wrdreg $0xFFFFFFFF  }
0xaf: {  	[dreg:$0x0] =	wrdreg $0x60  }
0xb0: {  	[dreg:$0x2] =	wrdreg s2  }
0xb1: {  	[dreg:$0x3] =	wrdreg s24  }
0xb2: {  	[dreg:$0x4] =	wrdreg s18  }
0xb3: {  	[dreg:$0x5] =	wrdreg s4  }
0xb4: {  	[dreg:$0x6] =	wrdreg $0x9  }
0xb5: {  	_ =	task.clear_ibuf [dreg:s9], $0x7FFFF;
	_ =	strace $0x90000046  }
0xb6: {  	s29 =	simm.s32 $0x9;
	_ =	strace $0x80000048  }
0xb7: {  	_ =	swait.ge [sflag:s29], $0x1  }
0xb8: {  	[sflag:s29] =	ssyncadd.s32 $0xFFFFFFFF  }
0xb9: {  	_ =	strace $0x90000048  }
0xba: {  	_ =	sfence  }
0xbb: {  	s30 =	sld [smem:$0x0];
	_ =	sdelay $0x2  }
0xbc: {  	s31 =	sshll.u32 s1, $0xD;
	s1 =	sshrl.u32 s1, $0x2  }
0xbd: {  	s3 =	sand.u32 $0x4000, s31;
	s1 =	sadd.s32 s1, s30  }
0xbe: {  	s0 =	sor.u32 s3, s0;
	s1 =	sshll.u32 s1, $0x11  }
0xbf: {  	s0 =	sor.u32 s1, s0  }
0xc0: {  	s0 =	sadd.s32 $0x8F2B, s0  }
0xc1: {  	[sflag:s0] =	ssyncadd.remote.s32 $0x1  }
0xc2: {  	_ =	sfence.sel $0xFFFF  }
0xc3: {  	[dreg:$0x0] =	wrdreg $0xFFFFFFFF;
	(pc) =	sbr.abs _section_cstart, $3  }
0xc4: {  	[dreg:$0x1] =	wrdreg $0xFFFFFFFF  }
0xc5: {  	_ =	task.clear_ibuf [dreg:s9], $0x2FFFF;
	_ =	strace $0x9FFFFFFF  }
0xc6: {  	(tm) =	ssettm $0x7FFFFFFF  }
0xc7: {  	_ =	shalt  }
tec
execute0_lowered:
.L_overlay_start_1:
0x0: {  	(tag) =	ssettag $0x1  }
0x1: {  	s1 =	rddreg [dreg:$0x0]  }
0x2: {  	s0 =	rddreg [dreg:$0x1]  }
0x3: {  	s3 =	rddreg [dreg:$0x2]  }
0x4: {  	s4 =	rddreg [dreg:$0x3]  }
0x5: {  	s2 =	srdreg.scid;
	s6 =	stileid.u32;
	s5 =	simm.s32 $0x0  }
0x6: {  	s14 =	simm.s32 $0x100;
	s17 =	simm.s32 $0x40;
	s19 =	simm.s32 $0x200  }
0x7: {  	s28 =	simm.s32 $0xE200;
	s29 =	simm.s32 $0x6200;
	s30 =	simm.s32 $0x1  }
0x8: {  	s31 =	simm.s32 $0x5;
	s18 =	simm.s32 $0x3;
	s2 =	sand.u32 $0x1, s2  }
0x9: {  	s12 =	simm.s32 $0xC;
	s6 =	sshll.u32 s6, $0x9;
	s7 =	sshll.u32 s2, $0x8  }
0xa: {  	[smem:$0x7FF] =	sst s5;
	s2 =	ssub.s32 $0x2, s2;
	s6 =	sor.u32 s7, s6  }
0xb: {  	_ =	strace $0x80000047;
	s20 =	sshrl.u32 s2, $0x1;
	s8 =	sshll.u32 s6, $0x7  }
0xc: {  	s7 =	sshrl.u32 s6, $0x3;
	s2 =	ssub.s32 s2, s20;
	s22 =	sadd.s32 s1, s8  }
0xd: {  	s0 =	sadd.s32 s7, s0;
	s26 =	smax.u32 s2, $0x1;
	[dreg:$0x6] =	wrdreg s22  }
0xe: {  	s9 =	simm.s32 $0x0;
	s21 =	sadd.s32 $0x800, s0;
	[dreg:$0xb] =	wrdreg s26  }
0xf: {  	s2 =	simm.s32 $0x6;
	s0 =	sadd.s32 $0x400, s0;
	[dreg:$0x5] =	wrdreg s21  }
.Ltmp0:
0x10: {  	v0 =	vlaneseq.u32;
	s23 =	sadd.s32 $0x400, s22;
	[dreg:$0x7] =	wrdreg s0;
	(pc) =	sbr.rel .LBB2_1-.Ltmp0, $4  }
0x11: {  	v1 =	vshrl.u32 v0, $0x3;
	v2 =	vand.u32 $0x7, v0;
	v4 =	vor.u32 $0x10, v0;
	s7 =	simm.s32 $0x8;
	s24 =	sadd.s32 $0x800, s22;
	[dreg:$0x8] =	wrdreg s23  }
0x12: {  	v6 =	vor.u32 $0x20, v0;
	v8 =	vor.u32 $0x30, v0;
	v1 =	vmul.u32 $0x8, v1;
	s25 =	sadd.s32 $0xC00, s22;
	s22 =	simm.s32 $0x2200;
	[dreg:$0x9] =	wrdreg s24  }
0x13: {  	v11 =	vor.u32 $0x18, v0;
	v9 =	vor.u32 $0x8, v2;
	v10 =	vor.u32 $0x10, v2;
	s26 =	simm.s32 $0x10380;
	[dreg:$0xa] =	wrdreg s25;
	s25 =	simm.s32 $0x4200  }
0x14: {  	v3 =	vor.u32 $0x10, v1;
	v5 =	vor.u32 $0x20, v1;
	v7 =	vor.u32 $0x30, v1;
	s0 =	simm.s32 $0x2;
	s21 =	simm.s32 $0x7;
	s24 =	simm.s32 $0x4  }
.LBB2_20:
0x15: {  	s8 =	simm.s32 $0x9  }
0x16: {  	_ =	swait.ge [sflag:s8], $0x2000  }
0x17: {  	[sflag:s8] =	ssyncset.done $0x0  }
0x18: {  	s16 =	simm.s32 $0xA;
	[sflag:s8] =	ssyncadd.s32 $0xFFFFE000  }
0x19: {  	_ =	swait.ge [sflag:s16], $0x2000  }
0x1a: {  	[sflag:s16] =	ssyncset.done $0x0  }
0x1b: {  	s20 =	simm.s32 $0xB;
	[sflag:s16] =	ssyncadd.s32 $0xFFFFE000  }
0x1c: {  	_ =	swait.ge [sflag:s20], $0x2000  }
0x1d: {  	[sflag:s20] =	ssyncset.done $0x0  }
0x1e: {  	[sflag:s20] =	ssyncadd.s32 $0xFFFFE000  }
0x1f: {  	_ =	swait.ge [sflag:s12], $0x2000  }
0x20: {  	s9 =	rddreg [dreg:$0xc]  }
0x21: {  	s23 =	rddreg [dreg:$0xb];
	s9 =	sadd.s32 $0x1, s9  }
0x22: {  	p0 =	sne.s32 s9, s23  }
.Ltmp1:
0x23: {  	_ = 	snop;
	(pc) =	sbr.rel @!p0 .LBB2_21-.Ltmp1, $3  }
0x24: {  	_ =	sdelay $0x1  }
0x25: {  	[sflag:s12] =	ssyncset.done $0x0  }
0x26: {  	[sflag:s12] =	ssyncadd.s32 $0xFFFFE000  }
.LBB2_1:
0x27: {  	[dreg:$0xc] =	wrdreg s9  }
0x28: {  	s8 =	rddreg [dreg:$0x5]  }
0x29: {  	[tilespmem:s5], [sflag:$0xD] =	stream.linear.gather [hbm4b:s8+s5], $0x100, $0x38;
	[tilespmem:$0x10400] =	vst v63  }
0x2a: {  	s15 =	rddreg [dreg:$0x7];
	s16 =	simm.s32 $0xD  }
0x2b: {  	[tilespmem:s14], [sflag:$0xD] =	stream.linear.gather [hbm4b:s15+s5], $0x100, $0x38;
	[tilespmem:$0x10400] =	vst v63  }
0x2c: {  	_ =	swait.ge [sflag:s16], $0x100  }
0x2d: {  	[sflag:s16] =	ssyncset.done $0x0  }
0x2e: {  	[sflag:s16] =	ssyncadd.s32 $0xFFFFFF00  }
0x2f: {  	_ =	swait.ge [sflag:s16], $0x100  }
0x30: {  	[sflag:s16] =	ssyncset.done $0x0  }
0x31: {  	[sflag:s16] =	ssyncadd.s32 $0xFFFFFF00  }
0x32: {  	v12 =	vld.idx.msk [tilespmem:v2+s5+$0x0], $0xffff;
	_ =	sdelay $0x4  }
0x33: {  	v13 =	vshll.u32 v12, $0x3  }
0x34: {  	v12 =	vand.u32 $0x7, v12;
	v13 =	vand.u32 $0xFFFFFFC0, v13  }
0x35: {  	v12 =	vor.u32 v12, v13  }
0x36: {  	s20 =	simm.s32 $0x10200;
	v13 =	vor.u32 v1, v12  }
0x37: {  	v53 =	vor.u32 v3, v12;
	[tilespmem:v0+s20+$0x0] =	vst.idx.msk $0xffff, v13  }
0x38: {  	v54 =	vor.u32 v5, v12;
	[tilespmem:v4+s20+$0x0] =	vst.idx.msk $0xffff, v53  }
0x39: {  	v12 =	vor.u32 v7, v12;
	[tilespmem:v6+s20+$0x0] =	vst.idx.msk $0xffff, v54  }
0x3a: {  	s23 =	simm.s32 $0x8200;
	[tilespmem:v8+s20+$0x0] =	vst.idx.msk $0xffff, v12  }
0x3b: {  	[tilespmem:s23], [sflag:$0x1] =	stream.indirect.gather [hbm4b:s3+s17], $0x80, s20, s17, $0xb8;
	[tilespmem:$0x10400] =	vst v63  }
0x3c: {  	s9 =	rddreg [dreg:$0x6]  }
0x3d: {  	[tilespmem:s19], [sflag:$0x5] =	stream.linear.gather [hbm4b:s9+s5], $0x2000, $0x38;
	[tilespmem:$0x10400] =	vst v63  }
0x3e: {  	v12 =	vld.idx.msk [tilespmem:v9+s5+$0x0], $0xffff;
	_ =	sdelay $0x4  }
0x3f: {  	v55 =	vshll.u32 v12, $0x3  }
0x40: {  	v12 =	vand.u32 $0x7, v12;
	v13 =	vand.u32 $0xFFFFFFC0, v55  }
0x41: {  	v12 =	vor.u32 v12, v13  }
0x42: {  	s10 =	simm.s32 $0x10280;
	v13 =	vor.u32 v1, v12  }
0x43: {  	v56 =	vor.u32 v3, v12;
	[tilespmem:v0+s10+$0x0] =	vst.idx.msk $0xffff, v13  }
0x44: {  	v57 =	vor.u32 v5, v12;
	[tilespmem:v4+s10+$0x0] =	vst.idx.msk $0xffff, v56  }
0x45: {  	v12 =	vor.u32 v7, v12;
	[tilespmem:v6+s10+$0x0] =	vst.idx.msk $0xffff, v57  }
0x46: {  	s11 =	simm.s32 $0xA200;
	[tilespmem:v8+s10+$0x0] =	vst.idx.msk $0xffff, v12  }
0x47: {  	[tilespmem:s11], [sflag:$0x2] =	stream.indirect.gather [hbm4b:s3+s17], $0x80, s10, s17, $0xb8;
	[tilespmem:$0x10400] =	vst v63  }
0x48: {  	s13 =	rddreg [dreg:$0x8]  }
0x49: {  	[tilespmem:s22], [sflag:$0x6] =	stream.linear.gather [hbm4b:s13+s5], $0x2000, $0x38;
	[tilespmem:$0x10400] =	vst v63  }
0x4a: {  	v12 =	vld.idx.msk [tilespmem:v10+s5+$0x0], $0xffff;
	_ =	sdelay $0x4  }
0x4b: {  	v58 =	vshll.u32 v12, $0x3  }
0x4c: {  	v12 =	vand.u32 $0x7, v12;
	v13 =	vand.u32 $0xFFFFFFC0, v58  }
0x4d: {  	v12 =	vor.u32 v12, v13  }
0x4e: {  	s15 =	simm.s32 $0x10300;
	v13 =	vor.u32 v1, v12  }
0x4f: {  	v59 =	vor.u32 v3, v12;
	[tilespmem:v0+s15+$0x0] =	vst.idx.msk $0xffff, v13  }
0x50: {  	v60 =	vor.u32 v5, v12;
	[tilespmem:v4+s15+$0x0] =	vst.idx.msk $0xffff, v59  }
0x51: {  	v12 =	vor.u32 v7, v12;
	[tilespmem:v6+s15+$0x0] =	vst.idx.msk $0xffff, v60  }
0x52: {  	s16 =	simm.s32 $0xC200;
	[tilespmem:v8+s15+$0x0] =	vst.idx.msk $0xffff, v12  }
0x53: {  	[tilespmem:s16], [sflag:$0x3] =	stream.indirect.gather [hbm4b:s3+s17], $0x80, s15, s17, $0xb8;
	[tilespmem:$0x10400] =	vst v63  }
0x54: {  	s20 =	rddreg [dreg:$0x9]  }
0x55: {  	[tilespmem:s25], [sflag:$0x7] =	stream.linear.gather [hbm4b:s20+s5], $0x2000, $0x38;
	[tilespmem:$0x10400] =	vst v63  }
0x56: {  	v12 =	vld.idx.msk [tilespmem:v11+s5+$0x0], $0xffff;
	_ =	sdelay $0x4  }
0x57: {  	v61 =	vshll.u32 v12, $0x3  }
0x58: {  	v12 =	vand.u32 $0x7, v12;
	v13 =	vand.u32 $0xFFFFFFC0, v61  }
0x59: {  	v12 =	vor.u32 v12, v13  }
0x5a: {  	v13 =	vor.u32 v1, v12  }
0x5b: {  	v62 =	vor.u32 v3, v12;
	[tilespmem:v0+s26+$0x0] =	vst.idx.msk $0xffff, v13  }
0x5c: {  	v63 =	vor.u32 v5, v12;
	[tilespmem:v4+s26+$0x0] =	vst.idx.msk $0xffff, v62  }
0x5d: {  	v12 =	vor.u32 v7, v12;
	[tilespmem:v6+s26+$0x0] =	vst.idx.msk $0xffff, v63  }
0x5e: {  	[tilespmem:v8+s26+$0x0] =	vst.idx.msk $0xffff, v12  }
0x5f: {  	[tilespmem:s28], [sflag:$0x4] =	stream.indirect.gather [hbm4b:s3+s17], $0x80, s26, s17, $0xb8;
	[tilespmem:$0x10400] =	vst v63  }
0x60: {  	s8 =	simm.s32 $0x0;
	s23 =	rddreg [dreg:$0xa]  }
0x61: {  	[tilespmem:s29], [sflag:$0x8] =	stream.linear.gather [hbm4b:s23+s5], $0x2000, $0x38;
	[tilespmem:$0x10400] =	vst v63  }
.LBB2_2:
0x62: {  	_ =	swait.ge [sflag:s30], $0x2000  }
0x63: {  	[sflag:s30] =	ssyncset.done $0x0  }
0x64: {  	[sflag:s30] =	ssyncadd.s32 $0xFFFFE000  }
0x65: {  	_ =	swait.ge [sflag:s31], $0x2000  }
0x66: {  	s9 =	sshll.u32 s8, $0x5;
	s10 =	simm.s32 $0x0;
	[sflag:s31] =	ssyncset.done $0x0  }
0x67: {  	s11 =	simm.s32 $0x8270;
	s16 =	simm.s32 $0x240;
	[sflag:s31] =	ssyncadd.s32 $0xFFFFE000  }
.LBB2_3:
0x68: {  	v14 =	vmov s11;
	_ =	sdelay $0x1  }
0x69: {  	v12 =	vmov s16;
	_ =	sdelay $0x1  }
0x6a: {  	s20 =	simm.s32 $0x0  }
0x6b: {  	v15 =	vld.idx.msk [tilespmem:v14+s20+$0x0 ss:$0x1], $0xffff  }
0x6c: {  	s13 =	sor.u32 s9, s10;
	v16 =	vld.idx.msk [tilespmem:v14+s20+$0xFFFFFF90 ss:$0x1], $0xffff  }
0x6d: {  	v13 =	vmov s13;
	v17 =	vld.idx.msk [tilespmem:v12+s20+$0x30 ss:$0x1], $0xffff  }
0x6e: {  	v18 =	vld.idx.msk [tilespmem:v14+s20+$0xFFFFFFA0 ss:$0x1], $0xffff  }
0x6f: {  	v20 =	vld.idx.msk [tilespmem:v14+s20+$0xFFFFFFB0 ss:$0x1], $0xffff  }
0x70: {  	v24 =	vld.idx.msk [tilespmem:v14+s20+$0xFFFFFFC0 ss:$0x1], $0xffff  }
0x71: {  	v25 =	vld.idx.msk [tilespmem:v14+s20+$0xFFFFFFD0 ss:$0x1], $0xffff  }
0x72: {  	v13 =	vld.idx.msk [tilespmem:v13+s14+$0x0], $0xffff  }
0x73: {  	v27 =	vld.idx.msk [tilespmem:v14+s20+$0xFFFFFFE0 ss:$0x1], $0xffff  }
0x74: {  	v28 =	vld.idx.msk [tilespmem:v14+s20+$0xFFFFFFF0 ss:$0x1], $0xffff  }
0x75: {  	v29 =	vld.idx.msk [tilespmem:v12+s20+$0xFFFFFFC0 ss:$0x1], $0xffff  }
0x76: {  	v22 =	vld.idx.msk [tilespmem:v12+s20+$0xFFFFFFD0 ss:$0x1], $0xffff  }
0x77: {  	v21 =	vld.idx.msk [tilespmem:v12+s20+$0xFFFFFFE0 ss:$0x1], $0xffff;
	v15 =	vmul.f32 v15, v13  }
0x78: {  	v19 =	vld.idx.msk [tilespmem:v12+s20+$0xFFFFFFF0 ss:$0x1], $0xffff;
	v30 =	vmul.f32 v16, v13;
	v26 =	vmul.f32 v18, v13  }
0x79: {  	v23 =	vmul.f32 v20, v13;
	v24 =	vmul.f32 v24, v13;
	v18 =	vld.idx.msk [tilespmem:v12+s20+$0x10 ss:$0x1], $0xffff;
	v15 =	vadd.f32 v15, v17  }
0x7a: {  	v20 =	vmul.f32 v25, v13;
	v16 =	vmul.f32 v27, v13;
	v17 =	vld.idx.msk [tilespmem:v12+s20+$0x0 ss:$0x1], $0xffff  }
0x7b: {  	s23 =	simm.s32 $0x400;
	s15 =	simm.s32 $0x2000;
	v25 =	vld.idx.msk [tilespmem:v12+s20+$0x20 ss:$0x1], $0xffff;
	v27 =	vadd.f32 v30, v29;
	[tilespmem:v12+s20+$0x30 ss:$0x1] =	vst.idx.msk $0xffff, v15;
	v15 =	vmul.f32 v28, v13  }
.LBB2_4:
0x7c: {  	p0 =	sne.s32 s15, $0x7000;
	v28 =	vld.idx.msk [tilespmem:v14+s23+$0x0 ss:$0x1], $0xffff;
	v22 =	vadd.f32 v26, v22  }
0x7d: {  	v21 =	vadd.f32 v23, v21;
	v26 =	vld.idx.msk [tilespmem:v14+s23+$0xFFFFFF90 ss:$0x1], $0xffff;
	[tilespmem:v12+s20+$0xFFFFFFC0 ss:$0x1] =	vst.idx.msk $0xffff, v27  }
0x7e: {  	v19 =	vadd.f32 v24, v19;
	v23 =	vld.idx.msk [tilespmem:v12+s23+$0x30 ss:$0x1], $0xffff;
	[tilespmem:v12+s20+$0xFFFFFFD0 ss:$0x1] =	vst.idx.msk $0xffff, v22  }
0x7f: {  	v17 =	vadd.f32 v20, v17;
	v22 =	vld.idx.msk [tilespmem:v14+s23+$0xFFFFFFA0 ss:$0x1], $0xffff;
	[tilespmem:v12+s20+$0xFFFFFFE0 ss:$0x1] =	vst.idx.msk $0xffff, v21  }
0x80: {  	v16 =	vadd.f32 v16, v18;
	v20 =	vld.idx.msk [tilespmem:v14+s23+$0xFFFFFFB0 ss:$0x1], $0xffff;
	[tilespmem:v12+s20+$0xFFFFFFF0 ss:$0x1] =	vst.idx.msk $0xffff, v19  }
0x81: {  	v15 =	vadd.f32 v15, v25;
	v18 =	vld.idx.msk [tilespmem:v14+s23+$0xFFFFFFC0 ss:$0x1], $0xffff;
	[tilespmem:v12+s20+$0x0 ss:$0x1] =	vst.idx.msk $0xffff, v17  }
0x82: {  	v19 =	vmul.f32 v28, v13;
	v17 =	vld.idx.msk [tilespmem:v14+s23+$0xFFFFFFD0 ss:$0x1], $0xffff;
	[tilespmem:v12+s20+$0x10 ss:$0x1] =	vst.idx.msk $0xffff, v16  }
0x83: {  	v25 =	vmul.f32 v26, v13;
	v16 =	vld.idx.msk [tilespmem:v14+s23+$0xFFFFFFE0 ss:$0x1], $0xffff;
	[tilespmem:v12+s20+$0x20 ss:$0x1] =	vst.idx.msk $0xffff, v15;
	s20 =	smov.u32 s23  }
0x84: {  	v19 =	vadd.f32 v19, v23;
	v15 =	vld.idx.msk [tilespmem:v14+s20+$0xFFFFFFF0 ss:$0x1], $0xffff  }
0x85: {  	v26 =	vmul.f32 v22, v13;
	v27 =	vld.idx.msk [tilespmem:v12+s20+$0xFFFFFFC0 ss:$0x1], $0xffff  }
0x86: {  	v23 =	vmul.f32 v20, v13;
	v22 =	vld.idx.msk [tilespmem:v12+s20+$0xFFFFFFD0 ss:$0x1], $0xffff;
	[tilespmem:v12+s20+$0x30 ss:$0x1] =	vst.idx.msk $0xffff, v19  }
.Ltmp2:
0x87: {  	v24 =	vmul.f32 v18, v13;
	v21 =	vld.idx.msk [tilespmem:v12+s20+$0xFFFFFFE0 ss:$0x1], $0xffff;
	(pc) =	sbr.rel @p0 .LBB2_4-.Ltmp2, $4  }
0x88: {  	v20 =	vmul.f32 v17, v13;
	v19 =	vld.idx.msk [tilespmem:v12+s20+$0xFFFFFFF0 ss:$0x1], $0xffff  }
0x89: {  	v16 =	vmul.f32 v16, v13;
	v17 =	vld.idx.msk [tilespmem:v12+s20+$0x0 ss:$0x1], $0xffff  }
0x8a: {  	v15 =	vmul.f32 v15, v13;
	v18 =	vld.idx.msk [tilespmem:v12+s20+$0x10 ss:$0x1], $0xffff  }
0x8b: {  	s23 =	sshra.s32 s15, $0x2;
	s15 =	sadd.s32 $0x1000, s15;
	v27 =	vadd.f32 v25, v27;
	v25 =	vld.idx.msk [tilespmem:v12+s20+$0x20 ss:$0x1], $0xffff  }
0x8c: {  	_ =	sdelay $0x3  }
0x8d: {  	v28 =	vld.idx.msk [tilespmem:v14+s23+$0x0 ss:$0x1], $0xffff  }
0x8e: {  	v29 =	vld.idx.msk [tilespmem:v14+s23+$0xFFFFFF90 ss:$0x1], $0xffff  }
0x8f: {  	v30 =	vld.idx.msk [tilespmem:v12+s23+$0x30 ss:$0x1], $0xffff  }
0x90: {  	v31 =	vld.idx.msk [tilespmem:v14+s23+$0xFFFFFFA0 ss:$0x1], $0xffff  }
0x91: {  	v32 =	vld.idx.msk [tilespmem:v14+s23+$0xFFFFFFB0 ss:$0x1], $0xffff  }
0x92: {  	v33 =	vld.idx.msk [tilespmem:v14+s23+$0xFFFFFFC0 ss:$0x1], $0xffff  }
0x93: {  	v34 =	vld.idx.msk [tilespmem:v14+s23+$0xFFFFFFD0 ss:$0x1], $0xffff  }
0x94: {  	v22 =	vadd.f32 v26, v22;
	v44 =	vld.idx.msk [tilespmem:v14+s23+$0xFFFFFFE0 ss:$0x1], $0xffff  }
0x95: {  	v21 =	vadd.f32 v23, v21;
	v45 =	vld.idx.msk [tilespmem:v14+s23+$0xFFFFFFF0 ss:$0x1], $0xffff;
	[tilespmem:v12+s20+$0xFFFFFFC0 ss:$0x1] =	vst.idx.msk $0xffff, v27  }
0x96: {  	v46 =	vld.idx.msk [tilespmem:v12+s23+$0xFFFFFFC0 ss:$0x1], $0xffff;
	v19 =	vadd.f32 v24, v19;
	[tilespmem:v12+s20+$0xFFFFFFD0 ss:$0x1] =	vst.idx.msk $0xffff, v22  }
0x97: {  	v47 =	vld.idx.msk [tilespmem:v12+s23+$0xFFFFFFD0 ss:$0x1], $0xffff;
	[tilespmem:v12+s20+$0xFFFFFFE0 ss:$0x1] =	vst.idx.msk $0xffff, v21;
	v17 =	vadd.f32 v20, v17  }
0x98: {  	v49 =	vld.idx.msk [tilespmem:v12+s23+$0xFFFFFFE0 ss:$0x1], $0xffff;
	[tilespmem:v12+s20+$0xFFFFFFF0 ss:$0x1] =	vst.idx.msk $0xffff, v19;
	v16 =	vadd.f32 v16, v18;
	v48 =	vmul.f32 v28, v13  }
0x99: {  	v51 =	vld.idx.msk [tilespmem:v12+s23+$0xFFFFFFF0 ss:$0x1], $0xffff;
	[tilespmem:v12+s20+$0x0 ss:$0x1] =	vst.idx.msk $0xffff, v17;
	v15 =	vadd.f32 v15, v25;
	v50 =	vmul.f32 v29, v13  }
0x9a: {  	v54 =	vld.idx.msk [tilespmem:v12+s23+$0x0 ss:$0x1], $0xffff;
	[tilespmem:v12+s20+$0x10 ss:$0x1] =	vst.idx.msk $0xffff, v16;
	v53 =	vmul.f32 v31, v13;
	v52 =	vadd.f32 v48, v30  }
0x9b: {  	v56 =	vld.idx.msk [tilespmem:v12+s23+$0x10 ss:$0x1], $0xffff;
	v55 =	vmul.f32 v32, v13;
	[tilespmem:v12+s20+$0x20 ss:$0x1] =	vst.idx.msk $0xffff, v15;
	v17 =	vadd.f32 v50, v46  }
0x9c: {  	v58 =	vld.idx.msk [tilespmem:v12+s23+$0x20 ss:$0x1], $0xffff;
	v57 =	vmul.f32 v33, v13;
	v18 =	vadd.f32 v53, v47;
	[tilespmem:v12+s23+$0x30 ss:$0x1] =	vst.idx.msk $0xffff, v52  }
0x9d: {  	s10 =	sadd.s32 $0x1, s10;
	v59 =	vmul.f32 v34, v13;
	v15 =	vadd.f32 v55, v49;
	[tilespmem:v12+s23+$0xFFFFFFC0 ss:$0x1] =	vst.idx.msk $0xffff, v17  }
0x9e: {  	p0 =	sne.s32 s10, $0x8;
	v60 =	vmul.f32 v44, v13;
	v16 =	vadd.f32 v57, v51;
	[tilespmem:v12+s23+$0xFFFFFFD0 ss:$0x1] =	vst.idx.msk $0xffff, v18  }
.Ltmp3:
0x9f: {  	v61 =	vmul.f32 v45, v13;
	v62 =	vadd.f32 v59, v54;
	[tilespmem:v12+s23+$0xFFFFFFE0 ss:$0x1] =	vst.idx.msk $0xffff, v15;
	(pc) =	sbr.rel @p0 .LBB2_3-.Ltmp3, $4  }
0xa0: {  	v63 =	vadd.f32 v60, v56;
	[tilespmem:v12+s23+$0xFFFFFFF0 ss:$0x1] =	vst.idx.msk $0xffff, v16  }
0xa1: {  	v13 =	vadd.f32 v61, v58;
	[tilespmem:v12+s23+$0x0 ss:$0x1] =	vst.idx.msk $0xffff, v62  }
0xa2: {  	[tilespmem:v12+s23+$0x10 ss:$0x1] =	vst.idx.msk $0xffff, v63  }
0xa3: {  	s11 =	sadd.s32 $0x80, s11;
	s16 =	sadd.s32 $0x80, s16;
	[tilespmem:v12+s23+$0x20 ss:$0x1] =	vst.idx.msk $0xffff, v13  }
0xa4: {  	s10 =	sadd.s32 s6, s9;
	p0 =	seq.s32 s8, $0x7  }
0xa5: {  	s10 =	sshll.u32 s10, $0x7;
	v12 =	vlaneseq.u32 @!p0  }
0xa6: {  	s11 =	sadd.s32 @!p0 $0x20, s9;
	s10 =	sadd.s32 s4, s10;
	v13 =	vand.u32 @!p0 $0x7, v12  }
0xa7: {  	[hbm4b:s10+s5] =	stream.linear.scatter [tilespmem:s19], [sflag:$0x9], $0x2000, $0x38;
	v13 =	vor.u32 @!p0 s11, v13;
	[tilespmem:$0x10400] =	vst v63  }
0xa8: {  	s10 =	simm.s32 @!p0 $0x9  }
0xa9: {  	_ =	swait.ge @!p0 [sflag:s10], $0x2000  }
0xaa: {  	[sflag:s10] =	ssyncset.done @!p0 $0x0  }
0xab: {  	[sflag:s10] =	ssyncadd.s32 @!p0 $0xFFFFE000;
	s10 =	simm.s32 @!p0 $0x0  }
0xac: {  	v13 =	vld.idx.msk @!p0 [tilespmem:v13+s10+$0x0], $0xffff;
	_ =	sdelay $0x3  }
0xad: {  	v15 =	vshrl.u32 @!p0 v12, $0x3  }
0xae: {  	v16 =	vor.u32 @!p0 $0x10, v12;
	v17 =	vor.u32 @!p0 $0x20, v12;
	v14 =	vshll.u32 @!p0 v13, $0x3  }
0xaf: {  	v15 =	vmul.u32 @!p0 $0x8, v15;
	v13 =	vand.u32 @!p0 $0x7, v13;
	v14 =	vand.u32 @!p0 $0xFFFFFFC0, v14  }
0xb0: {  	v13 =	vor.u32 @!p0 v13, v14;
	v14 =	vor.u32 @!p0 $0x30, v12  }
0xb1: {  	s13 =	simm.s32 @!p0 $0x10200;
	v19 =	vor.u32 @!p0 $0x10, v15;
	v18 =	vor.u32 @!p0 v15, v13  }
0xb2: {  	[tilespmem:v12+s13+$0x0] =	vst.idx.msk @!p0 $0xffff, v18;
	v12 =	vor.u32 @!p0 v19, v13;
	v18 =	vor.u32 @!p0 $0x20, v15  }
0xb3: {  	v15 =	vor.u32 @!p0 $0x30, v15;
	[tilespmem:v16+s13+$0x0] =	vst.idx.msk @!p0 $0xffff, v12;
	v12 =	vor.u32 @!p0 v18, v13  }
0xb4: {  	s11 =	sadd.s32 @!p0 s6, s11;
	[tilespmem:v17+s13+$0x0] =	vst.idx.msk @!p0 $0xffff, v12;
	v12 =	vor.u32 @!p0 v15, v13  }
0xb5: {  	s15 =	simm.s32 @!p0 $0x40;
	s16 =	simm.s32 @!p0 $0x8200;
	s11 =	sshll.u32 @!p0 s11, $0x7;
	[tilespmem:v14+s13+$0x0] =	vst.idx.msk @!p0 $0xffff, v12  }
0xb6: {  	[tilespmem:s16], [sflag:$0x1] =	stream.indirect.gather @!p0 [hbm4b:s3+s15], $0x80, s13, s15, $0xb8;
	[tilespmem:$0x10400] =	vst v63  }
0xb7: {  	s11 =	sadd.s32 @!p0 s1, s11;
	s13 =	simm.s32 @!p0 $0x200  }
0xb8: {  	[tilespmem:s13], [sflag:$0x5] =	stream.linear.gather @!p0 [hbm4b:s11+s10], $0x2000, $0x38;
	[tilespmem:$0x10400] =	vst v63  }
0xb9: {  	_ =	swait.ge [sflag:s0], $0x2000  }
0xba: {  	[sflag:s0] =	ssyncset.done $0x0  }
0xbb: {  	[sflag:s0] =	ssyncadd.s32 $0xFFFFE000  }
0xbc: {  	_ =	swait.ge [sflag:s2], $0x2000  }
0xbd: {  	s20 =	simm.s32 $0x2240;
	s16 =	simm.s32 $0xA270;
	[sflag:s2] =	ssyncset.done $0x0  }
0xbe: {  	s10 =	sor.u32 $0x8, s9;
	s11 =	simm.s32 $0x0;
	[sflag:s2] =	ssyncadd.s32 $0xFFFFE000  }
.LBB2_7:
0xbf: {  	v14 =	vmov s16;
	_ =	sdelay $0x1  }
0xc0: {  	v12 =	vmov s20;
	_ =	sdelay $0x1  }
0xc1: {  	s23 =	simm.s32 $0x0  }
0xc2: {  	v15 =	vld.idx.msk [tilespmem:v14+s23+$0x0 ss:$0x1], $0xffff  }
0xc3: {  	s13 =	sor.u32 s10, s11;
	v16 =	vld.idx.msk [tilespmem:v14+s23+$0xFFFFFF90 ss:$0x1], $0xffff  }
0xc4: {  	v13 =	vmov s13;
	v17 =	vld.idx.msk [tilespmem:v12+s23+$0x30 ss:$0x1], $0xffff  }
0xc5: {  	v18 =	vld.idx.msk [tilespmem:v14+s23+$0xFFFFFFA0 ss:$0x1], $0xffff  }
0xc6: {  	v20 =	vld.idx.msk [tilespmem:v14+s23+$0xFFFFFFB0 ss:$0x1], $0xffff  }
0xc7: {  	v24 =	vld.idx.msk [tilespmem:v14+s23+$0xFFFFFFC0 ss:$0x1], $0xffff  }
0xc8: {  	v25 =	vld.idx.msk [tilespmem:v14+s23+$0xFFFFFFD0 ss:$0x1], $0xffff  }
0xc9: {  	v13 =	vld.idx.msk [tilespmem:v13+s14+$0x0], $0xffff  }
0xca: {  	v27 =	vld.idx.msk [tilespmem:v14+s23+$0xFFFFFFE0 ss:$0x1], $0xffff  }
0xcb: {  	v28 =	vld.idx.msk [tilespmem:v14+s23+$0xFFFFFFF0 ss:$0x1], $0xffff  }
0xcc: {  	v29 =	vld.idx.msk [tilespmem:v12+s23+$0xFFFFFFC0 ss:$0x1], $0xffff  }
0xcd: {  	v22 =	vld.idx.msk [tilespmem:v12+s23+$0xFFFFFFD0 ss:$0x1], $0xffff  }
0xce: {  	v21 =	vld.idx.msk [tilespmem:v12+s23+$0xFFFFFFE0 ss:$0x1], $0xffff;
	v15 =	vmul.f32 v15, v13  }
0xcf: {  	v19 =	vld.idx.msk [tilespmem:v12+s23+$0xFFFFFFF0 ss:$0x1], $0xffff;
	v30 =	vmul.f32 v16, v13;
	v26 =	vmul.f32 v18, v13  }
0xd0: {  	v23 =	vmul.f32 v20, v13;
	v24 =	vmul.f32 v24, v13;
	v18 =	vld.idx.msk [tilespmem:v12+s23+$0x10 ss:$0x1], $0xffff;
	v15 =	vadd.f32 v15, v17  }
0xd1: {  	v20 =	vmul.f32 v25, v13;
	v16 =	vmul.f32 v27, v13;
	v17 =	vld.idx.msk [tilespmem:v12+s23+$0x0 ss:$0x1], $0xffff  }
0xd2: {  	s15 =	simm.s32 $0x400;
	s13 =	simm.s32 $0x2000;
	v25 =	vld.idx.msk [tilespmem:v12+s23+$0x20 ss:$0x1], $0xffff;
	v27 =	vadd.f32 v30, v29;
	[tilespmem:v12+s23+$0x30 ss:$0x1] =	vst.idx.msk $0xffff, v15;
	v15 =	vmul.f32 v28, v13  }
.LBB2_8:
0xd3: {  	p1 =	sne.s32 s13, $0x7000;
	v28 =	vld.idx.msk [tilespmem:v14+s15+$0x0 ss:$0x1], $0xffff;
	v22 =	vadd.f32 v26, v22  }
0xd4: {  	v21 =	vadd.f32 v23, v21;
	v26 =	vld.idx.msk [tilespmem:v14+s15+$0xFFFFFF90 ss:$0x1], $0xffff;
	[tilespmem:v12+s23+$0xFFFFFFC0 ss:$0x1] =	vst.idx.msk $0xffff, v27  }
0xd5: {  	v19 =	vadd.f32 v24, v19;
	v23 =	vld.idx.msk [tilespmem:v12+s15+$0x30 ss:$0x1], $0xffff;
	[tilespmem:v12+s23+$0xFFFFFFD0 ss:$0x1] =	vst.idx.msk $0xffff, v22  }
0xd6: {  	v17 =	vadd.f32 v20, v17;
	v22 =	vld.idx.msk [tilespmem:v14+s15+$0xFFFFFFA0 ss:$0x1], $0xffff;
	[tilespmem:v12+s23+$0xFFFFFFE0 ss:$0x1] =	vst.idx.msk $0xffff, v21  }
0xd7: {  	v16 =	vadd.f32 v16, v18;
	v20 =	vld.idx.msk [tilespmem:v14+s15+$0xFFFFFFB0 ss:$0x1], $0xffff;
	[tilespmem:v12+s23+$0xFFFFFFF0 ss:$0x1] =	vst.idx.msk $0xffff, v19  }
0xd8: {  	v15 =	vadd.f32 v15, v25;
	v18 =	vld.idx.msk [tilespmem:v14+s15+$0xFFFFFFC0 ss:$0x1], $0xffff;
	[tilespmem:v12+s23+$0x0 ss:$0x1] =	vst.idx.msk $0xffff, v17  }
0xd9: {  	v19 =	vmul.f32 v28, v13;
	v17 =	vld.idx.msk [tilespmem:v14+s15+$0xFFFFFFD0 ss:$0x1], $0xffff;
	[tilespmem:v12+s23+$0x10 ss:$0x1] =	vst.idx.msk $0xffff, v16  }
0xda: {  	v25 =	vmul.f32 v26, v13;
	v16 =	vld.idx.msk [tilespmem:v14+s15+$0xFFFFFFE0 ss:$0x1], $0xffff;
	[tilespmem:v12+s23+$0x20 ss:$0x1] =	vst.idx.msk $0xffff, v15;
	s23 =	smov.u32 s15  }
0xdb: {  	v19 =	vadd.f32 v19, v23;
	v15 =	vld.idx.msk [tilespmem:v14+s23+$0xFFFFFFF0 ss:$0x1], $0xffff  }
0xdc: {  	v26 =	vmul.f32 v22, v13;
	v27 =	vld.idx.msk [tilespmem:v12+s23+$0xFFFFFFC0 ss:$0x1], $0xffff  }
0xdd: {  	v23 =	vmul.f32 v20, v13;
	v22 =	vld.idx.msk [tilespmem:v12+s23+$0xFFFFFFD0 ss:$0x1], $0xffff;
	[tilespmem:v12+s23+$0x30 ss:$0x1] =	vst.idx.msk $0xffff, v19  }
.Ltmp4:
0xde: {  	v24 =	vmul.f32 v18, v13;
	v21 =	vld.idx.msk [tilespmem:v12+s23+$0xFFFFFFE0 ss:$0x1], $0xffff;
	(pc) =	sbr.rel @p1 .LBB2_8-.Ltmp4, $4  }
0xdf: {  	v20 =	vmul.f32 v17, v13;
	v19 =	vld.idx.msk [tilespmem:v12+s23+$0xFFFFFFF0 ss:$0x1], $0xffff  }
0xe0: {  	v16 =	vmul.f32 v16, v13;
	v17 =	vld.idx.msk [tilespmem:v12+s23+$0x0 ss:$0x1], $0xffff  }
0xe1: {  	v15 =	vmul.f32 v15, v13;
	v18 =	vld.idx.msk [tilespmem:v12+s23+$0x10 ss:$0x1], $0xffff  }
0xe2: {  	s15 =	sshra.s32 s13, $0x2;
	s13 =	sadd.s32 $0x1000, s13;
	v27 =	vadd.f32 v25, v27;
	v25 =	vld.idx.msk [tilespmem:v12+s23+$0x20 ss:$0x1], $0xffff  }
0xe3: {  	_ =	sdelay $0x3  }
0xe4: {  	v28 =	vld.idx.msk [tilespmem:v14+s15+$0x0 ss:$0x1], $0xffff  }
0xe5: {  	v29 =	vld.idx.msk [tilespmem:v14+s15+$0xFFFFFF90 ss:$0x1], $0xffff  }
0xe6: {  	v30 =	vld.idx.msk [tilespmem:v12+s15+$0x30 ss:$0x1], $0xffff  }
0xe7: {  	v31 =	vld.idx.msk [tilespmem:v14+s15+$0xFFFFFFA0 ss:$0x1], $0xffff  }
0xe8: {  	v32 =	vld.idx.msk [tilespmem:v14+s15+$0xFFFFFFB0 ss:$0x1], $0xffff  }
0xe9: {  	v33 =	vld.idx.msk [tilespmem:v14+s15+$0xFFFFFFC0 ss:$0x1], $0xffff  }
0xea: {  	v34 =	vld.idx.msk [tilespmem:v14+s15+$0xFFFFFFD0 ss:$0x1], $0xffff  }
0xeb: {  	v22 =	vadd.f32 v26, v22;
	v44 =	vld.idx.msk [tilespmem:v14+s15+$0xFFFFFFE0 ss:$0x1], $0xffff  }
0xec: {  	v21 =	vadd.f32 v23, v21;
	v45 =	vld.idx.msk [tilespmem:v14+s15+$0xFFFFFFF0 ss:$0x1], $0xffff;
	[tilespmem:v12+s23+$0xFFFFFFC0 ss:$0x1] =	vst.idx.msk $0xffff, v27  }
0xed: {  	v46 =	vld.idx.msk [tilespmem:v12+s15+$0xFFFFFFC0 ss:$0x1], $0xffff;
	v19 =	vadd.f32 v24, v19;
	[tilespmem:v12+s23+$0xFFFFFFD0 ss:$0x1] =	vst.idx.msk $0xffff, v22  }
0xee: {  	v47 =	vld.idx.msk [tilespmem:v12+s15+$0xFFFFFFD0 ss:$0x1], $0xffff;
	[tilespmem:v12+s23+$0xFFFFFFE0 ss:$0x1] =	vst.idx.msk $0xffff, v21;
	v17 =	vadd.f32 v20, v17  }
0xef: {  	v49 =	vld.idx.msk [tilespmem:v12+s15+$0xFFFFFFE0 ss:$0x1], $0xffff;
	[tilespmem:v12+s23+$0xFFFFFFF0 ss:$0x1] =	vst.idx.msk $0xffff, v19;
	v16 =	vadd.f32 v16, v18;
	v48 =	vmul.f32 v28, v13  }
0xf0: {  	v51 =	vld.idx.msk [tilespmem:v12+s15+$0xFFFFFFF0 ss:$0x1], $0xffff;
	[tilespmem:v12+s23+$0x0 ss:$0x1] =	vst.idx.msk $0xffff, v17;
	v15 =	vadd.f32 v15, v25;
	v50 =	vmul.f32 v29, v13  }
0xf1: {  	v54 =	vld.idx.msk [tilespmem:v12+s15+$0x0 ss:$0x1], $0xffff;
	[tilespmem:v12+s23+$0x10 ss:$0x1] =	vst.idx.msk $0xffff, v16;
	v53 =	vmul.f32 v31, v13;
	v52 =	vadd.f32 v48, v30  }
0xf2: {  	v56 =	vld.idx.msk [tilespmem:v12+s15+$0x10 ss:$0x1], $0xffff;
	v55 =	vmul.f32 v32, v13;
	[tilespmem:v12+s23+$0x20 ss:$0x1] =	vst.idx.msk $0xffff, v15;
	v17 =	vadd.f32 v50, v46  }
0xf3: {  	v58 =	vld.idx.msk [tilespmem:v12+s15+$0x20 ss:$0x1], $0xffff;
	v57 =	vmul.f32 v33, v13;
	v18 =	vadd.f32 v53, v47;
	[tilespmem:v12+s15+$0x30 ss:$0x1] =	vst.idx.msk $0xffff, v52  }
0xf4: {  	s11 =	sadd.s32 $0x1, s11;
	v59 =	vmul.f32 v34, v13;
	v15 =	vadd.f32 v55, v49;
	[tilespmem:v12+s15+$0xFFFFFFC0 ss:$0x1] =	vst.idx.msk $0xffff, v17  }
0xf5: {  	p1 =	sne.s32 s11, $0x8;
	v60 =	vmul.f32 v44, v13;
	v16 =	vadd.f32 v57, v51;
	[tilespmem:v12+s15+$0xFFFFFFD0 ss:$0x1] =	vst.idx.msk $0xffff, v18  }
.Ltmp5:
0xf6: {  	v61 =	vmul.f32 v45, v13;
	v62 =	vadd.f32 v59, v54;
	[tilespmem:v12+s15+$0xFFFFFFE0 ss:$0x1] =	vst.idx.msk $0xffff, v15;
	(pc) =	sbr.rel @p1 .LBB2_7-.Ltmp5, $4  }
0xf7: {  	v63 =	vadd.f32 v60, v56;
	[tilespmem:v12+s15+$0xFFFFFFF0 ss:$0x1] =	vst.idx.msk $0xffff, v16  }
0xf8: {  	v13 =	vadd.f32 v61, v58;
	[tilespmem:v12+s15+$0x0 ss:$0x1] =	vst.idx.msk $0xffff, v62  }
0xf9: {  	[tilespmem:v12+s15+$0x10 ss:$0x1] =	vst.idx.msk $0xffff, v63  }
0xfa: {  	s16 =	sadd.s32 $0x80, s16;
	s20 =	sadd.s32 $0x80, s20;
	[tilespmem:v12+s15+$0x20 ss:$0x1] =	vst.idx.msk $0xffff, v13  }
0xfb: {  	s10 =	sadd.s32 s6, s10  }
0xfc: {  	v12 =	vlaneseq.u32 @!p0;
	s10 =	sshll.u32 s10, $0x7  }
0xfd: {  	s11 =	sadd.s32 @!p0 $0x28, s9;
	v13 =	vand.u32 @!p0 $0x7, v12;
	s10 =	sadd.s32 s4, s10  }
0xfe: {  	v13 =	vor.u32 @!p0 s11, v13;
	[hbm4b:s10+s5] =	stream.linear.scatter [tilespmem:s22], [sflag:$0xA], $0x2000, $0x38;
	[tilespmem:$0x10400] =	vst v63  }
0xff: {  	s10 =	simm.s32 @!p0 $0xA  }
0x100: {  	_ =	swait.ge @!p0 [sflag:s10], $0x2000  }
0x101: {  	[sflag:s10] =	ssyncset.done @!p0 $0x0  }
0x102: {  	[sflag:s10] =	ssyncadd.s32 @!p0 $0xFFFFE000;
	s10 =	simm.s32 @!p0 $0x0  }
0x103: {  	v13 =	vld.idx.msk @!p0 [tilespmem:v13+s10+$0x0], $0xffff;
	_ =	sdelay $0x3  }
0x104: {  	v15 =	vshrl.u32 @!p0 v12, $0x3  }
0x105: {  	v16 =	vor.u32 @!p0 $0x10, v12;
	v17 =	vor.u32 @!p0 $0x20, v12;
	v14 =	vshll.u32 @!p0 v13, $0x3  }
0x106: {  	v15 =	vmul.u32 @!p0 $0x8, v15;
	v13 =	vand.u32 @!p0 $0x7, v13;
	v14 =	vand.u32 @!p0 $0xFFFFFFC0, v14  }
0x107: {  	v13 =	vor.u32 @!p0 v13, v14;
	v14 =	vor.u32 @!p0 $0x30, v12  }
0x108: {  	s13 =	simm.s32 @!p0 $0x10280;
	v19 =	vor.u32 @!p0 $0x10, v15;
	v18 =	vor.u32 @!p0 v15, v13  }
0x109: {  	[tilespmem:v12+s13+$0x0] =	vst.idx.msk @!p0 $0xffff, v18;
	v12 =	vor.u32 @!p0 v19, v13;
	v18 =	vor.u32 @!p0 $0x20, v15  }
0x10a: {  	v15 =	vor.u32 @!p0 $0x30, v15;
	[tilespmem:v16+s13+$0x0] =	vst.idx.msk @!p0 $0xffff, v12;
	v12 =	vor.u32 @!p0 v18, v13  }
0x10b: {  	s11 =	sadd.s32 @!p0 s6, s11;
	[tilespmem:v17+s13+$0x0] =	vst.idx.msk @!p0 $0xffff, v12;
	v12 =	vor.u32 @!p0 v15, v13  }
0x10c: {  	s15 =	simm.s32 @!p0 $0x40;
	s16 =	simm.s32 @!p0 $0xA200;
	s11 =	sshll.u32 @!p0 s11, $0x7;
	[tilespmem:v14+s13+$0x0] =	vst.idx.msk @!p0 $0xffff, v12  }
0x10d: {  	[tilespmem:s16], [sflag:$0x2] =	stream.indirect.gather @!p0 [hbm4b:s3+s15], $0x80, s13, s15, $0xb8;
	[tilespmem:$0x10400] =	vst v63  }
0x10e: {  	s11 =	sadd.s32 @!p0 s1, s11;
	s13 =	simm.s32 @!p0 $0x2200  }
0x10f: {  	[tilespmem:s13], [sflag:$0x6] =	stream.linear.gather @!p0 [hbm4b:s11+s10], $0x2000, $0x38;
	[tilespmem:$0x10400] =	vst v63  }
0x110: {  	_ =	swait.ge [sflag:s18], $0x2000  }
0x111: {  	[sflag:s18] =	ssyncset.done $0x0  }
0x112: {  	[sflag:s18] =	ssyncadd.s32 $0xFFFFE000  }
0x113: {  	_ =	swait.ge [sflag:s21], $0x2000  }
0x114: {  	s20 =	simm.s32 $0x4240;
	s16 =	simm.s32 $0xC270;
	[sflag:s21] =	ssyncset.done $0x0  }
0x115: {  	s10 =	sor.u32 $0x10, s9;
	s11 =	simm.s32 $0x0;
	[sflag:s21] =	ssyncadd.s32 $0xFFFFE000  }
.LBB2_11:
0x116: {  	v14 =	vmov s16;
	_ =	sdelay $0x1  }
0x117: {  	v12 =	vmov s20;
	_ =	sdelay $0x1  }
0x118: {  	s23 =	simm.s32 $0x0  }
0x119: {  	v15 =	vld.idx.msk [tilespmem:v14+s23+$0x0 ss:$0x1], $0xffff  }
0x11a: {  	s13 =	sor.u32 s10, s11;
	v16 =	vld.idx.msk [tilespmem:v14+s23+$0xFFFFFF90 ss:$0x1], $0xffff  }
0x11b: {  	v13 =	vmov s13;
	v17 =	vld.idx.msk [tilespmem:v12+s23+$0x30 ss:$0x1], $0xffff  }
0x11c: {  	v18 =	vld.idx.msk [tilespmem:v14+s23+$0xFFFFFFA0 ss:$0x1], $0xffff  }
0x11d: {  	v20 =	vld.idx.msk [tilespmem:v14+s23+$0xFFFFFFB0 ss:$0x1], $0xffff  }
0x11e: {  	v24 =	vld.idx.msk [tilespmem:v14+s23+$0xFFFFFFC0 ss:$0x1], $0xffff  }
0x11f: {  	v25 =	vld.idx.msk [tilespmem:v14+s23+$0xFFFFFFD0 ss:$0x1], $0xffff  }
0x120: {  	v13 =	vld.idx.msk [tilespmem:v13+s14+$0x0], $0xffff  }
0x121: {  	v27 =	vld.idx.msk [tilespmem:v14+s23+$0xFFFFFFE0 ss:$0x1], $0xffff  }
0x122: {  	v28 =	vld.idx.msk [tilespmem:v14+s23+$0xFFFFFFF0 ss:$0x1], $0xffff  }
0x123: {  	v29 =	vld.idx.msk [tilespmem:v12+s23+$0xFFFFFFC0 ss:$0x1], $0xffff  }
0x124: {  	v22 =	vld.idx.msk [tilespmem:v12+s23+$0xFFFFFFD0 ss:$0x1], $0xffff  }
0x125: {  	v21 =	vld.idx.msk [tilespmem:v12+s23+$0xFFFFFFE0 ss:$0x1], $0xffff;
	v15 =	vmul.f32 v15, v13  }
0x126: {  	v19 =	vld.idx.msk [tilespmem:v12+s23+$0xFFFFFFF0 ss:$0x1], $0xffff;
	v30 =	vmul.f32 v16, v13;
	v26 =	vmul.f32 v18, v13  }
0x127: {  	v23 =	vmul.f32 v20, v13;
	v24 =	vmul.f32 v24, v13;
	v18 =	vld.idx.msk [tilespmem:v12+s23+$0x10 ss:$0x1], $0xffff;
	v15 =	vadd.f32 v15, v17  }
0x128: {  	v20 =	vmul.f32 v25, v13;
	v16 =	vmul.f32 v27, v13;
	v17 =	vld.idx.msk [tilespmem:v12+s23+$0x0 ss:$0x1], $0xffff  }
0x129: {  	s15 =	simm.s32 $0x400;
	s13 =	simm.s32 $0x2000;
	v25 =	vld.idx.msk [tilespmem:v12+s23+$0x20 ss:$0x1], $0xffff;
	v27 =	vadd.f32 v30, v29;
	[tilespmem:v12+s23+$0x30 ss:$0x1] =	vst.idx.msk $0xffff, v15;
	v15 =	vmul.f32 v28, v13  }
.LBB2_12:
0x12a: {  	p1 =	sne.s32 s13, $0x7000;
	v28 =	vld.idx.msk [tilespmem:v14+s15+$0x0 ss:$0x1], $0xffff;
	v22 =	vadd.f32 v26, v22  }
0x12b: {  	v21 =	vadd.f32 v23, v21;
	v26 =	vld.idx.msk [tilespmem:v14+s15+$0xFFFFFF90 ss:$0x1], $0xffff;
	[tilespmem:v12+s23+$0xFFFFFFC0 ss:$0x1] =	vst.idx.msk $0xffff, v27  }
0x12c: {  	v19 =	vadd.f32 v24, v19;
	v23 =	vld.idx.msk [tilespmem:v12+s15+$0x30 ss:$0x1], $0xffff;
	[tilespmem:v12+s23+$0xFFFFFFD0 ss:$0x1] =	vst.idx.msk $0xffff, v22  }
0x12d: {  	v17 =	vadd.f32 v20, v17;
	v22 =	vld.idx.msk [tilespmem:v14+s15+$0xFFFFFFA0 ss:$0x1], $0xffff;
	[tilespmem:v12+s23+$0xFFFFFFE0 ss:$0x1] =	vst.idx.msk $0xffff, v21  }
0x12e: {  	v16 =	vadd.f32 v16, v18;
	v20 =	vld.idx.msk [tilespmem:v14+s15+$0xFFFFFFB0 ss:$0x1], $0xffff;
	[tilespmem:v12+s23+$0xFFFFFFF0 ss:$0x1] =	vst.idx.msk $0xffff, v19  }
0x12f: {  	v15 =	vadd.f32 v15, v25;
	v18 =	vld.idx.msk [tilespmem:v14+s15+$0xFFFFFFC0 ss:$0x1], $0xffff;
	[tilespmem:v12+s23+$0x0 ss:$0x1] =	vst.idx.msk $0xffff, v17  }
0x130: {  	v19 =	vmul.f32 v28, v13;
	v17 =	vld.idx.msk [tilespmem:v14+s15+$0xFFFFFFD0 ss:$0x1], $0xffff;
	[tilespmem:v12+s23+$0x10 ss:$0x1] =	vst.idx.msk $0xffff, v16  }
0x131: {  	v25 =	vmul.f32 v26, v13;
	v16 =	vld.idx.msk [tilespmem:v14+s15+$0xFFFFFFE0 ss:$0x1], $0xffff;
	[tilespmem:v12+s23+$0x20 ss:$0x1] =	vst.idx.msk $0xffff, v15;
	s23 =	smov.u32 s15  }
0x132: {  	v19 =	vadd.f32 v19, v23;
	v15 =	vld.idx.msk [tilespmem:v14+s23+$0xFFFFFFF0 ss:$0x1], $0xffff  }
0x133: {  	v26 =	vmul.f32 v22, v13;
	v27 =	vld.idx.msk [tilespmem:v12+s23+$0xFFFFFFC0 ss:$0x1], $0xffff  }
0x134: {  	v23 =	vmul.f32 v20, v13;
	v22 =	vld.idx.msk [tilespmem:v12+s23+$0xFFFFFFD0 ss:$0x1], $0xffff;
	[tilespmem:v12+s23+$0x30 ss:$0x1] =	vst.idx.msk $0xffff, v19  }
.Ltmp6:
0x135: {  	v24 =	vmul.f32 v18, v13;
	v21 =	vld.idx.msk [tilespmem:v12+s23+$0xFFFFFFE0 ss:$0x1], $0xffff;
	(pc) =	sbr.rel @p1 .LBB2_12-.Ltmp6, $4  }
0x136: {  	v20 =	vmul.f32 v17, v13;
	v19 =	vld.idx.msk [tilespmem:v12+s23+$0xFFFFFFF0 ss:$0x1], $0xffff  }
0x137: {  	v16 =	vmul.f32 v16, v13;
	v17 =	vld.idx.msk [tilespmem:v12+s23+$0x0 ss:$0x1], $0xffff  }
0x138: {  	v15 =	vmul.f32 v15, v13;
	v18 =	vld.idx.msk [tilespmem:v12+s23+$0x10 ss:$0x1], $0xffff  }
0x139: {  	s15 =	sshra.s32 s13, $0x2;
	s13 =	sadd.s32 $0x1000, s13;
	v27 =	vadd.f32 v25, v27;
	v25 =	vld.idx.msk [tilespmem:v12+s23+$0x20 ss:$0x1], $0xffff  }
0x13a: {  	_ =	sdelay $0x3  }
0x13b: {  	v28 =	vld.idx.msk [tilespmem:v14+s15+$0x0 ss:$0x1], $0xffff  }
0x13c: {  	v29 =	vld.idx.msk [tilespmem:v14+s15+$0xFFFFFF90 ss:$0x1], $0xffff  }
0x13d: {  	v30 =	vld.idx.msk [tilespmem:v12+s15+$0x30 ss:$0x1], $0xffff  }
0x13e: {  	v31 =	vld.idx.msk [tilespmem:v14+s15+$0xFFFFFFA0 ss:$0x1], $0xffff  }
0x13f: {  	v32 =	vld.idx.msk [tilespmem:v14+s15+$0xFFFFFFB0 ss:$0x1], $0xffff  }
0x140: {  	v33 =	vld.idx.msk [tilespmem:v14+s15+$0xFFFFFFC0 ss:$0x1], $0xffff  }
0x141: {  	v34 =	vld.idx.msk [tilespmem:v14+s15+$0xFFFFFFD0 ss:$0x1], $0xffff  }
0x142: {  	v22 =	vadd.f32 v26, v22;
	v44 =	vld.idx.msk [tilespmem:v14+s15+$0xFFFFFFE0 ss:$0x1], $0xffff  }
0x143: {  	v21 =	vadd.f32 v23, v21;
	v45 =	vld.idx.msk [tilespmem:v14+s15+$0xFFFFFFF0 ss:$0x1], $0xffff;
	[tilespmem:v12+s23+$0xFFFFFFC0 ss:$0x1] =	vst.idx.msk $0xffff, v27  }
0x144: {  	v46 =	vld.idx.msk [tilespmem:v12+s15+$0xFFFFFFC0 ss:$0x1], $0xffff;
	v19 =	vadd.f32 v24, v19;
	[tilespmem:v12+s23+$0xFFFFFFD0 ss:$0x1] =	vst.idx.msk $0xffff, v22  }
0x145: {  	v47 =	vld.idx.msk [tilespmem:v12+s15+$0xFFFFFFD0 ss:$0x1], $0xffff;
	[tilespmem:v12+s23+$0xFFFFFFE0 ss:$0x1] =	vst.idx.msk $0xffff, v21;
	v17 =	vadd.f32 v20, v17  }
0x146: {  	v49 =	vld.idx.msk [tilespmem:v12+s15+$0xFFFFFFE0 ss:$0x1], $0xffff;
	[tilespmem:v12+s23+$0xFFFFFFF0 ss:$0x1] =	vst.idx.msk $0xffff, v19;
	v16 =	vadd.f32 v16, v18;
	v48 =	vmul.f32 v28, v13  }
0x147: {  	v51 =	vld.idx.msk [tilespmem:v12+s15+$0xFFFFFFF0 ss:$0x1], $0xffff;
	[tilespmem:v12+s23+$0x0 ss:$0x1] =	vst.idx.msk $0xffff, v17;
	v15 =	vadd.f32 v15, v25;
	v50 =	vmul.f32 v29, v13  }
0x148: {  	v54 =	vld.idx.msk [tilespmem:v12+s15+$0x0 ss:$0x1], $0xffff;
	[tilespmem:v12+s23+$0x10 ss:$0x1] =	vst.idx.msk $0xffff, v16;
	v53 =	vmul.f32 v31, v13;
	v52 =	vadd.f32 v48, v30  }
0x149: {  	v56 =	vld.idx.msk [tilespmem:v12+s15+$0x10 ss:$0x1], $0xffff;
	v55 =	vmul.f32 v32, v13;
	[tilespmem:v12+s23+$0x20 ss:$0x1] =	vst.idx.msk $0xffff, v15;
	v17 =	vadd.f32 v50, v46  }
0x14a: {  	v58 =	vld.idx.msk [tilespmem:v12+s15+$0x20 ss:$0x1], $0xffff;
	v57 =	vmul.f32 v33, v13;
	v18 =	vadd.f32 v53, v47;
	[tilespmem:v12+s15+$0x30 ss:$0x1] =	vst.idx.msk $0xffff, v52  }
0x14b: {  	s11 =	sadd.s32 $0x1, s11;
	v59 =	vmul.f32 v34, v13;
	v15 =	vadd.f32 v55, v49;
	[tilespmem:v12+s15+$0xFFFFFFC0 ss:$0x1] =	vst.idx.msk $0xffff, v17  }
0x14c: {  	p1 =	sne.s32 s11, $0x8;
	v60 =	vmul.f32 v44, v13;
	v16 =	vadd.f32 v57, v51;
	[tilespmem:v12+s15+$0xFFFFFFD0 ss:$0x1] =	vst.idx.msk $0xffff, v18  }
.Ltmp7:
0x14d: {  	v61 =	vmul.f32 v45, v13;
	v62 =	vadd.f32 v59, v54;
	[tilespmem:v12+s15+$0xFFFFFFE0 ss:$0x1] =	vst.idx.msk $0xffff, v15;
	(pc) =	sbr.rel @p1 .LBB2_11-.Ltmp7, $4  }
0x14e: {  	v63 =	vadd.f32 v60, v56;
	[tilespmem:v12+s15+$0xFFFFFFF0 ss:$0x1] =	vst.idx.msk $0xffff, v16  }
0x14f: {  	v13 =	vadd.f32 v61, v58;
	[tilespmem:v12+s15+$0x0 ss:$0x1] =	vst.idx.msk $0xffff, v62  }
0x150: {  	[tilespmem:v12+s15+$0x10 ss:$0x1] =	vst.idx.msk $0xffff, v63  }
0x151: {  	s16 =	sadd.s32 $0x80, s16;
	s20 =	sadd.s32 $0x80, s20;
	[tilespmem:v12+s15+$0x20 ss:$0x1] =	vst.idx.msk $0xffff, v13  }
0x152: {  	s10 =	sadd.s32 s6, s10  }
0x153: {  	v12 =	vlaneseq.u32 @!p0;
	s10 =	sshll.u32 s10, $0x7  }
0x154: {  	s11 =	sadd.s32 @!p0 $0x30, s9;
	v13 =	vand.u32 @!p0 $0x7, v12;
	s10 =	sadd.s32 s4, s10  }
0x155: {  	v13 =	vor.u32 @!p0 s11, v13;
	[hbm4b:s10+s5] =	stream.linear.scatter [tilespmem:s25], [sflag:$0xB], $0x2000, $0x38;
	[tilespmem:$0x10400] =	vst v63  }
0x156: {  	s10 =	simm.s32 @!p0 $0xB  }
0x157: {  	_ =	swait.ge @!p0 [sflag:s10], $0x2000  }
0x158: {  	[sflag:s10] =	ssyncset.done @!p0 $0x0  }
0x159: {  	[sflag:s10] =	ssyncadd.s32 @!p0 $0xFFFFE000;
	s10 =	simm.s32 @!p0 $0x0  }
0x15a: {  	v13 =	vld.idx.msk @!p0 [tilespmem:v13+s10+$0x0], $0xffff;
	_ =	sdelay $0x3  }
0x15b: {  	v15 =	vshrl.u32 @!p0 v12, $0x3  }
0x15c: {  	v16 =	vor.u32 @!p0 $0x10, v12;
	v17 =	vor.u32 @!p0 $0x20, v12;
	v14 =	vshll.u32 @!p0 v13, $0x3  }
0x15d: {  	v15 =	vmul.u32 @!p0 $0x8, v15;
	v13 =	vand.u32 @!p0 $0x7, v13;
	v14 =	vand.u32 @!p0 $0xFFFFFFC0, v14  }
0x15e: {  	v13 =	vor.u32 @!p0 v13, v14;
	v14 =	vor.u32 @!p0 $0x30, v12  }
0x15f: {  	s13 =	simm.s32 @!p0 $0x10300;
	v19 =	vor.u32 @!p0 $0x10, v15;
	v18 =	vor.u32 @!p0 v15, v13  }
0x160: {  	[tilespmem:v12+s13+$0x0] =	vst.idx.msk @!p0 $0xffff, v18;
	v12 =	vor.u32 @!p0 v19, v13;
	v18 =	vor.u32 @!p0 $0x20, v15  }
0x161: {  	v15 =	vor.u32 @!p0 $0x30, v15;
	[tilespmem:v16+s13+$0x0] =	vst.idx.msk @!p0 $0xffff, v12;
	v12 =	vor.u32 @!p0 v18, v13  }
0x162: {  	s11 =	sadd.s32 @!p0 s6, s11;
	[tilespmem:v17+s13+$0x0] =	vst.idx.msk @!p0 $0xffff, v12;
	v12 =	vor.u32 @!p0 v15, v13  }
0x163: {  	s15 =	simm.s32 @!p0 $0x40;
	s16 =	simm.s32 @!p0 $0xC200;
	s11 =	sshll.u32 @!p0 s11, $0x7;
	[tilespmem:v14+s13+$0x0] =	vst.idx.msk @!p0 $0xffff, v12  }
0x164: {  	[tilespmem:s16], [sflag:$0x3] =	stream.indirect.gather @!p0 [hbm4b:s3+s15], $0x80, s13, s15, $0xb8;
	[tilespmem:$0x10400] =	vst v63  }
0x165: {  	s11 =	sadd.s32 @!p0 s1, s11;
	s13 =	simm.s32 @!p0 $0x4200  }
0x166: {  	[tilespmem:s13], [sflag:$0x7] =	stream.linear.gather @!p0 [hbm4b:s11+s10], $0x2000, $0x38;
	[tilespmem:$0x10400] =	vst v63  }
0x167: {  	_ =	swait.ge [sflag:s24], $0x2000  }
0x168: {  	[sflag:s24] =	ssyncset.done $0x0  }
0x169: {  	[sflag:s24] =	ssyncadd.s32 $0xFFFFE000  }
0x16a: {  	_ =	swait.ge [sflag:s7], $0x2000  }
0x16b: {  	s20 =	simm.s32 $0x6240;
	s16 =	simm.s32 $0xE270;
	[sflag:s7] =	ssyncset.done $0x0  }
0x16c: {  	s10 =	sor.u32 $0x18, s9;
	s11 =	simm.s32 $0x0;
	[sflag:s7] =	ssyncadd.s32 $0xFFFFE000  }
.LBB2_15:
0x16d: {  	v14 =	vmov s16;
	_ =	sdelay $0x1  }
0x16e: {  	v12 =	vmov s20;
	_ =	sdelay $0x1  }
0x16f: {  	s23 =	simm.s32 $0x0  }
0x170: {  	v15 =	vld.idx.msk [tilespmem:v14+s23+$0x0 ss:$0x1], $0xffff  }
0x171: {  	s13 =	sor.u32 s10, s11;
	v16 =	vld.idx.msk [tilespmem:v14+s23+$0xFFFFFF90 ss:$0x1], $0xffff  }
0x172: {  	v13 =	vmov s13;
	v17 =	vld.idx.msk [tilespmem:v12+s23+$0x30 ss:$0x1], $0xffff  }
0x173: {  	v18 =	vld.idx.msk [tilespmem:v14+s23+$0xFFFFFFA0 ss:$0x1], $0xffff  }
0x174: {  	v20 =	vld.idx.msk [tilespmem:v14+s23+$0xFFFFFFB0 ss:$0x1], $0xffff  }
0x175: {  	v24 =	vld.idx.msk [tilespmem:v14+s23+$0xFFFFFFC0 ss:$0x1], $0xffff  }
0x176: {  	v25 =	vld.idx.msk [tilespmem:v14+s23+$0xFFFFFFD0 ss:$0x1], $0xffff  }
0x177: {  	v13 =	vld.idx.msk [tilespmem:v13+s14+$0x0], $0xffff  }
0x178: {  	v27 =	vld.idx.msk [tilespmem:v14+s23+$0xFFFFFFE0 ss:$0x1], $0xffff  }
0x179: {  	v28 =	vld.idx.msk [tilespmem:v14+s23+$0xFFFFFFF0 ss:$0x1], $0xffff  }
0x17a: {  	v29 =	vld.idx.msk [tilespmem:v12+s23+$0xFFFFFFC0 ss:$0x1], $0xffff  }
0x17b: {  	v22 =	vld.idx.msk [tilespmem:v12+s23+$0xFFFFFFD0 ss:$0x1], $0xffff  }
0x17c: {  	v21 =	vld.idx.msk [tilespmem:v12+s23+$0xFFFFFFE0 ss:$0x1], $0xffff;
	v15 =	vmul.f32 v15, v13  }
0x17d: {  	v19 =	vld.idx.msk [tilespmem:v12+s23+$0xFFFFFFF0 ss:$0x1], $0xffff;
	v30 =	vmul.f32 v16, v13;
	v26 =	vmul.f32 v18, v13  }
0x17e: {  	v23 =	vmul.f32 v20, v13;
	v24 =	vmul.f32 v24, v13;
	v18 =	vld.idx.msk [tilespmem:v12+s23+$0x10 ss:$0x1], $0xffff;
	v15 =	vadd.f32 v15, v17  }
0x17f: {  	v20 =	vmul.f32 v25, v13;
	v16 =	vmul.f32 v27, v13;
	v17 =	vld.idx.msk [tilespmem:v12+s23+$0x0 ss:$0x1], $0xffff  }
0x180: {  	s15 =	simm.s32 $0x400;
	s13 =	simm.s32 $0x2000;
	v25 =	vld.idx.msk [tilespmem:v12+s23+$0x20 ss:$0x1], $0xffff;
	v27 =	vadd.f32 v30, v29;
	[tilespmem:v12+s23+$0x30 ss:$0x1] =	vst.idx.msk $0xffff, v15;
	v15 =	vmul.f32 v28, v13  }
.LBB2_16:
0x181: {  	p1 =	sne.s32 s13, $0x7000;
	v28 =	vld.idx.msk [tilespmem:v14+s15+$0x0 ss:$0x1], $0xffff;
	v22 =	vadd.f32 v26, v22  }
0x182: {  	v21 =	vadd.f32 v23, v21;
	v26 =	vld.idx.msk [tilespmem:v14+s15+$0xFFFFFF90 ss:$0x1], $0xffff;
	[tilespmem:v12+s23+$0xFFFFFFC0 ss:$0x1] =	vst.idx.msk $0xffff, v27  }
0x183: {  	v19 =	vadd.f32 v24, v19;
	v23 =	vld.idx.msk [tilespmem:v12+s15+$0x30 ss:$0x1], $0xffff;
	[tilespmem:v12+s23+$0xFFFFFFD0 ss:$0x1] =	vst.idx.msk $0xffff, v22  }
0x184: {  	v17 =	vadd.f32 v20, v17;
	v22 =	vld.idx.msk [tilespmem:v14+s15+$0xFFFFFFA0 ss:$0x1], $0xffff;
	[tilespmem:v12+s23+$0xFFFFFFE0 ss:$0x1] =	vst.idx.msk $0xffff, v21  }
0x185: {  	v16 =	vadd.f32 v16, v18;
	v20 =	vld.idx.msk [tilespmem:v14+s15+$0xFFFFFFB0 ss:$0x1], $0xffff;
	[tilespmem:v12+s23+$0xFFFFFFF0 ss:$0x1] =	vst.idx.msk $0xffff, v19  }
0x186: {  	v15 =	vadd.f32 v15, v25;
	v18 =	vld.idx.msk [tilespmem:v14+s15+$0xFFFFFFC0 ss:$0x1], $0xffff;
	[tilespmem:v12+s23+$0x0 ss:$0x1] =	vst.idx.msk $0xffff, v17  }
0x187: {  	v19 =	vmul.f32 v28, v13;
	v17 =	vld.idx.msk [tilespmem:v14+s15+$0xFFFFFFD0 ss:$0x1], $0xffff;
	[tilespmem:v12+s23+$0x10 ss:$0x1] =	vst.idx.msk $0xffff, v16  }
0x188: {  	v25 =	vmul.f32 v26, v13;
	v16 =	vld.idx.msk [tilespmem:v14+s15+$0xFFFFFFE0 ss:$0x1], $0xffff;
	[tilespmem:v12+s23+$0x20 ss:$0x1] =	vst.idx.msk $0xffff, v15;
	s23 =	smov.u32 s15  }
0x189: {  	v19 =	vadd.f32 v19, v23;
	v15 =	vld.idx.msk [tilespmem:v14+s23+$0xFFFFFFF0 ss:$0x1], $0xffff  }
0x18a: {  	v26 =	vmul.f32 v22, v13;
	v27 =	vld.idx.msk [tilespmem:v12+s23+$0xFFFFFFC0 ss:$0x1], $0xffff  }
0x18b: {  	v23 =	vmul.f32 v20, v13;
	v22 =	vld.idx.msk [tilespmem:v12+s23+$0xFFFFFFD0 ss:$0x1], $0xffff;
	[tilespmem:v12+s23+$0x30 ss:$0x1] =	vst.idx.msk $0xffff, v19  }
.Ltmp8:
0x18c: {  	v24 =	vmul.f32 v18, v13;
	v21 =	vld.idx.msk [tilespmem:v12+s23+$0xFFFFFFE0 ss:$0x1], $0xffff;
	(pc) =	sbr.rel @p1 .LBB2_16-.Ltmp8, $4  }
0x18d: {  	v20 =	vmul.f32 v17, v13;
	v19 =	vld.idx.msk [tilespmem:v12+s23+$0xFFFFFFF0 ss:$0x1], $0xffff  }
0x18e: {  	v16 =	vmul.f32 v16, v13;
	v17 =	vld.idx.msk [tilespmem:v12+s23+$0x0 ss:$0x1], $0xffff  }
0x18f: {  	v15 =	vmul.f32 v15, v13;
	v18 =	vld.idx.msk [tilespmem:v12+s23+$0x10 ss:$0x1], $0xffff  }
0x190: {  	s15 =	sshra.s32 s13, $0x2;
	s13 =	sadd.s32 $0x1000, s13;
	v27 =	vadd.f32 v25, v27;
	v25 =	vld.idx.msk [tilespmem:v12+s23+$0x20 ss:$0x1], $0xffff  }
0x191: {  	_ =	sdelay $0x3  }
0x192: {  	v28 =	vld.idx.msk [tilespmem:v14+s15+$0x0 ss:$0x1], $0xffff  }
0x193: {  	v29 =	vld.idx.msk [tilespmem:v14+s15+$0xFFFFFF90 ss:$0x1], $0xffff  }
0x194: {  	v30 =	vld.idx.msk [tilespmem:v12+s15+$0x30 ss:$0x1], $0xffff  }
0x195: {  	v31 =	vld.idx.msk [tilespmem:v14+s15+$0xFFFFFFA0 ss:$0x1], $0xffff  }
0x196: {  	v32 =	vld.idx.msk [tilespmem:v14+s15+$0xFFFFFFB0 ss:$0x1], $0xffff  }
0x197: {  	v33 =	vld.idx.msk [tilespmem:v14+s15+$0xFFFFFFC0 ss:$0x1], $0xffff  }
0x198: {  	v34 =	vld.idx.msk [tilespmem:v14+s15+$0xFFFFFFD0 ss:$0x1], $0xffff  }
0x199: {  	v22 =	vadd.f32 v26, v22;
	v44 =	vld.idx.msk [tilespmem:v14+s15+$0xFFFFFFE0 ss:$0x1], $0xffff  }
0x19a: {  	v21 =	vadd.f32 v23, v21;
	v45 =	vld.idx.msk [tilespmem:v14+s15+$0xFFFFFFF0 ss:$0x1], $0xffff;
	[tilespmem:v12+s23+$0xFFFFFFC0 ss:$0x1] =	vst.idx.msk $0xffff, v27  }
0x19b: {  	v46 =	vld.idx.msk [tilespmem:v12+s15+$0xFFFFFFC0 ss:$0x1], $0xffff;
	v19 =	vadd.f32 v24, v19;
	[tilespmem:v12+s23+$0xFFFFFFD0 ss:$0x1] =	vst.idx.msk $0xffff, v22  }
0x19c: {  	v47 =	vld.idx.msk [tilespmem:v12+s15+$0xFFFFFFD0 ss:$0x1], $0xffff;
	[tilespmem:v12+s23+$0xFFFFFFE0 ss:$0x1] =	vst.idx.msk $0xffff, v21;
	v17 =	vadd.f32 v20, v17  }
0x19d: {  	v49 =	vld.idx.msk [tilespmem:v12+s15+$0xFFFFFFE0 ss:$0x1], $0xffff;
	[tilespmem:v12+s23+$0xFFFFFFF0 ss:$0x1] =	vst.idx.msk $0xffff, v19;
	v16 =	vadd.f32 v16, v18;
	v48 =	vmul.f32 v28, v13  }
0x19e: {  	v51 =	vld.idx.msk [tilespmem:v12+s15+$0xFFFFFFF0 ss:$0x1], $0xffff;
	[tilespmem:v12+s23+$0x0 ss:$0x1] =	vst.idx.msk $0xffff, v17;
	v15 =	vadd.f32 v15, v25;
	v50 =	vmul.f32 v29, v13  }
0x19f: {  	v54 =	vld.idx.msk [tilespmem:v12+s15+$0x0 ss:$0x1], $0xffff;
	[tilespmem:v12+s23+$0x10 ss:$0x1] =	vst.idx.msk $0xffff, v16;
	v53 =	vmul.f32 v31, v13;
	v52 =	vadd.f32 v48, v30  }
0x1a0: {  	v56 =	vld.idx.msk [tilespmem:v12+s15+$0x10 ss:$0x1], $0xffff;
	v55 =	vmul.f32 v32, v13;
	[tilespmem:v12+s23+$0x20 ss:$0x1] =	vst.idx.msk $0xffff, v15;
	v17 =	vadd.f32 v50, v46  }
0x1a1: {  	v58 =	vld.idx.msk [tilespmem:v12+s15+$0x20 ss:$0x1], $0xffff;
	v57 =	vmul.f32 v33, v13;
	v18 =	vadd.f32 v53, v47;
	[tilespmem:v12+s15+$0x30 ss:$0x1] =	vst.idx.msk $0xffff, v52  }
0x1a2: {  	s11 =	sadd.s32 $0x1, s11;
	v59 =	vmul.f32 v34, v13;
	v15 =	vadd.f32 v55, v49;
	[tilespmem:v12+s15+$0xFFFFFFC0 ss:$0x1] =	vst.idx.msk $0xffff, v17  }
0x1a3: {  	p1 =	sne.s32 s11, $0x8;
	v60 =	vmul.f32 v44, v13;
	v16 =	vadd.f32 v57, v51;
	[tilespmem:v12+s15+$0xFFFFFFD0 ss:$0x1] =	vst.idx.msk $0xffff, v18  }
.Ltmp9:
0x1a4: {  	v61 =	vmul.f32 v45, v13;
	v62 =	vadd.f32 v59, v54;
	[tilespmem:v12+s15+$0xFFFFFFE0 ss:$0x1] =	vst.idx.msk $0xffff, v15;
	(pc) =	sbr.rel @p1 .LBB2_15-.Ltmp9, $4  }
0x1a5: {  	v63 =	vadd.f32 v60, v56;
	[tilespmem:v12+s15+$0xFFFFFFF0 ss:$0x1] =	vst.idx.msk $0xffff, v16  }
0x1a6: {  	v13 =	vadd.f32 v61, v58;
	[tilespmem:v12+s15+$0x0 ss:$0x1] =	vst.idx.msk $0xffff, v62  }
0x1a7: {  	[tilespmem:v12+s15+$0x10 ss:$0x1] =	vst.idx.msk $0xffff, v63  }
0x1a8: {  	s16 =	sadd.s32 $0x80, s16;
	s20 =	sadd.s32 $0x80, s20;
	[tilespmem:v12+s15+$0x20 ss:$0x1] =	vst.idx.msk $0xffff, v13  }
.Ltmp10:
0x1a9: {  	(pc) =	sbr.rel @p0 .LBB2_20-.Ltmp10, $4  }
0x1aa: {  	s10 =	sadd.s32 s6, s10  }
0x1ab: {  	s10 =	sshll.u32 s10, $0x7  }
0x1ac: {  	s10 =	sadd.s32 s4, s10  }
0x1ad: {  	[hbm4b:s10+s5] =	stream.linear.scatter [tilespmem:s29], [sflag:$0xC], $0x2000, $0x38;
	[tilespmem:$0x10400] =	vst v63  }
0x1ae: {  	s9 =	sadd.s32 $0x38, s9  }
0x1af: {  	v12 =	vor.u32 s9, v2;
	_ =	sdelay $0x1  }
0x1b0: {  	_ =	swait.ge [sflag:s12], $0x2000  }
0x1b1: {  	[sflag:s12] =	ssyncset.done $0x0  }
0x1b2: {  	[sflag:s12] =	ssyncadd.s32 $0xFFFFE000  }
0x1b3: {  	v12 =	vld.idx.msk [tilespmem:v12+s5+$0x0], $0xffff;
	_ =	sdelay $0x4  }
0x1b4: {  	v13 =	vshll.u32 v12, $0x3  }
0x1b5: {  	v12 =	vand.u32 $0x7, v12;
	v13 =	vand.u32 $0xFFFFFFC0, v13  }
0x1b6: {  	v12 =	vor.u32 v12, v13  }
0x1b7: {  	v13 =	vor.u32 v1, v12  }
0x1b8: {  	v62 =	vor.u32 v3, v12;
	[tilespmem:v0+s26+$0x0] =	vst.idx.msk $0xffff, v13  }
0x1b9: {  	v63 =	vor.u32 v5, v12;
	[tilespmem:v4+s26+$0x0] =	vst.idx.msk $0xffff, v62  }
.Ltmp11:
0x1ba: {  	s9 =	sadd.s32 s6, s9;
	v12 =	vor.u32 v7, v12;
	[tilespmem:v6+s26+$0x0] =	vst.idx.msk $0xffff, v63;
	(pc) =	sbr.rel .LBB2_2-.Ltmp11, $4  }
0x1bb: {  	s9 =	sshll.u32 s9, $0x7;
	[tilespmem:v8+s26+$0x0] =	vst.idx.msk $0xffff, v12  }
0x1bc: {  	[tilespmem:s28], [sflag:$0x4] =	stream.indirect.gather [hbm4b:s3+s17], $0x80, s26, s17, $0xb8;
	[tilespmem:$0x10400] =	vst v63  }
0x1bd: {  	s8 =	sadd.s32 $0x1, s8;
	s9 =	sadd.s32 s1, s9  }
0x1be: {  	[tilespmem:s29], [sflag:$0x8] =	stream.linear.gather [hbm4b:s9+s5], $0x2000, $0x38;
	[tilespmem:$0x10400] =	vst v63  }
.LBB2_21:
0x1bf: {  	_ =	sfence.sel $0x180000  }
0x1c0: {  	[bflag:$0x0] =	sbarrier.arrive $0xFFFF  }
0x1c1: {  	_ =	strace $0x90000047  }
0x1c2: {  	s0 =	stileid.u32;
	[bflag:$0x2] =	sbarrier.arrive $0xFFFF  }
0x1c3: {  	p0 =	sne.s32 s0, $0x0;
	s0 =	rddreg [dreg:$0x4]  }
0x1c4: {  	s0 =	sadd.s32 @!p0 $0x100000, s0  }
0x1c5: {  	[sflag:s0] =	ssyncadd.tile.s32 @!p0 $0x1;
	_ =	shalt  }
.Lfunc_end2:
_tile_overlayer_lowered:
.L_overlay_start_2:
0x1c6: {  	(tag) =	ssettag $0x2  }
0x1c7: {  	s0 =	rddreg [dreg:$0x0];
	s2 =	stileid.u32  }
0x1c8: {  	s1 =	rddreg [dreg:$0x1];
	p0 =	sne.s32 s2, $0x0  }
0x1c9: {  	s3 =	rddreg [dreg:$0x2];
	[bflag:$0x3] =	sbarrier.arrive $0xFFFF;
	s2 =	simm.s32 @!p0 $0x1C0E  }
0x1ca: {  	[timem:s3], [sflag:s2] =	dma.local @!p0 [hbm:s0], s1  }
0x1cb: {  	s0 =	simm.s32 @!p0 $0xE  }
0x1cc: {  	_ =	swait.ge @!p0 [sflag:s0], s1  }
0x1cd: {  	s1 =	ssub.s32 @!p0 $0x0, s1;
	[sflag:s0] =	ssyncset.done @!p0 $0x0  }
0x1ce: {  	[sflag:s0] =	ssyncadd.s32 @!p0 s1  }
0x1cf: {  	[bflag:$0x3] =	sbarrier.arrive $0xFFFF  }
0x1d0: {  	_ =	shalt  }

</sc_bundles>
